<compile_context>
chip_gen: v7x
topology: tpu7x:2x2x1
jax: 0.10.2.dev20260603
libtpu: 0.0.44.dev20260713+nightly
codegen_flags: <defaults>
</compile_context>

<pallas_src>
import functools

import jax
import jax.numpy as jnp
from jax import lax
from jax.experimental import pallas as pl
from jax.experimental.pallas import tpu as pltpu
from jax.experimental.pallas import tpu_sc as plsc

NN = 10000
NE = 320000
DF = 128
NC = 2
NS = 16
NW = NC * NS
EPW = NE // NW
CH = 80
NCHUNK = EPW // CH
NPAD = 10240
RPT = NPAD // NS


def _make_agg(want_deg):
  mesh = plsc.VectorSubcoreMesh(
      core_axis_name="c", subcore_axis_name="s", num_cores=NC, num_subcores=NS)
  lanes_per_row = DF // 16

  def body(feat, srcs, dsts, *refs):
    if want_deg:
      (out, dout, sidx, didx0, didx1, rows0, rows1, ones, acc, deg1,
       gsem0, gsem1, ssem0, ssem1, dsem0, dsem1, qsem0, qsem1) = refs
    else:
      (out, sidx, didx0, didx1, rows0, rows1, acc,
       gsem0, gsem1, ssem0, ssem1, dsem0, dsem1) = refs
      dout = ones = deg1 = qsem0 = qsem1 = None
    c = lax.axis_index("c")
    s = lax.axis_index("s")
    wid = c * NS + s
    ebase = wid * EPW

    pltpu.sync_copy(srcs.at[pl.ds(ebase, EPW)], sidx)

    def dload(i, didx, dsem):
      return pltpu.async_copy(dsts.at[pl.ds(ebase + i * CH, CH)], didx, dsem)

    def dwait(didx, dsem):
      pltpu.make_async_copy(dsts.at[pl.ds(0, CH)], didx, dsem).wait()

    zv = jnp.zeros((16,), jnp.float32)

    def zr(i, carry):
      rows0[i // lanes_per_row, pl.ds((i % lanes_per_row) * 16, 16)] = zv
      return carry

    lax.fori_loop(0, CH * lanes_per_row, zr, 0)
    rbase = s * RPT

    def zc(i, carry):
      pltpu.async_copy(rows0, acc.at[pl.ds(rbase + i * CH, CH)], ssem0)
      return carry

    lax.fori_loop(0, RPT // CH, zc, 0)

    def zw(i, carry):
      pltpu.make_async_copy(rows0, acc.at[pl.ds(rbase, CH)], ssem0).wait()
      return carry

    lax.fori_loop(0, RPT // CH, zw, 0)

    if want_deg:
      ov = jnp.ones((16,), jnp.float32)

      def fo(i, carry):
        ones[pl.ds(i * 16, 16)] = ov
        return carry

      lax.fori_loop(0, CH // 16, fo, 0)

      def zd(i, carry):
        pltpu.async_copy(
            rows0.at[0], deg1.at[pl.ds(rbase + i * DF, DF)], ssem1)
        return carry

      lax.fori_loop(0, RPT // DF, zd, 0)

      def zdw(i, carry):
        pltpu.make_async_copy(rows0.at[0], deg1.at[pl.ds(0, DF)], ssem1).wait()
        return carry

      lax.fori_loop(0, RPT // DF, zdw, 0)

    plsc.subcore_barrier()

    def gather(i, rows, gsem):
      return pltpu.async_copy(feat.at[sidx.at[pl.ds(i * CH, CH)]], rows, gsem)

    def gwait(rows, gsem):
      pltpu.make_async_copy(feat.at[sidx.at[pl.ds(0, CH)]], rows, gsem).wait()

    def swait(rows, didx, ssem):
      pltpu.make_async_copy(rows, acc.at[didx], ssem).wait()

    def qfire(didx, qsem):
      if want_deg:
        pltpu.async_copy(ones, deg1.at[didx], qsem, add=True)

    def qwait(didx, qsem):
      if want_deg:
        pltpu.make_async_copy(ones, deg1.at[didx], qsem).wait()

    gather(0, rows0, gsem0)
    dload(0, didx0, dsem0)

    def pair(p, carry):
      i0 = 2 * p
      i1 = i0 + 1

      @pl.when(p > 0)
      def _():
        swait(rows1, didx1, ssem1)
        qwait(didx1, qsem1)

      gather(i1, rows1, gsem1)
      dload(i1, didx1, dsem1)
      gwait(rows0, gsem0)
      dwait(didx0, dsem0)
      pltpu.async_copy(rows0, acc.at[didx0], ssem0, add=True)
      qfire(didx0, qsem0)
      swait(rows0, didx0, ssem0)
      qwait(didx0, qsem0)
      gather(i1 + 1, rows0, gsem0)
      dload(i1 + 1, didx0, dsem0)
      gwait(rows1, gsem1)
      dwait(didx1, dsem1)
      pltpu.async_copy(rows1, acc.at[didx1], ssem1, add=True)
      qfire(didx1, qsem1)
      return carry

    lax.fori_loop(0, NCHUNK // 2, pair, 0)
    swait(rows1, didx1, ssem1)
    qwait(didx1, qsem1)
    gwait(rows0, gsem0)
    dwait(didx0, dsem0)
    pltpu.sync_copy(rows0, acc.at[didx0], add=True)
    if want_deg:
      pltpu.sync_copy(ones, deg1.at[didx0], add=True)
    plsc.subcore_barrier()

    pltpu.sync_copy(acc.at[pl.ds(rbase, RPT)], out.at[c, pl.ds(rbase, RPT)])
    if want_deg:
      pltpu.sync_copy(
          deg1.at[pl.ds(rbase, RPT)], dout.at[pl.ds(c * NPAD + rbase, RPT)])

  if want_deg:
    out_type = [
        jax.ShapeDtypeStruct((NC, NPAD, DF), jnp.float32),
        jax.ShapeDtypeStruct((NC * NPAD,), jnp.float32),
    ]
  else:
    out_type = jax.ShapeDtypeStruct((NC, NPAD, DF), jnp.float32)
  scratch = [
      pltpu.VMEM((EPW,), jnp.int32),
      pltpu.VMEM((CH,), jnp.int32),
      pltpu.VMEM((CH,), jnp.int32),
      pltpu.VMEM((CH, DF), jnp.float32),
      pltpu.VMEM((CH, DF), jnp.float32),
  ]
  if want_deg:
    scratch.append(pltpu.VMEM((CH,), jnp.float32))
  scratch.append(pltpu.VMEM_SHARED((NPAD, DF), jnp.float32))
  if want_deg:
    scratch.append(pltpu.VMEM_SHARED((NPAD,), jnp.float32))
  scratch += [pltpu.SemaphoreType.DMA] * (8 if want_deg else 6)
  return pl.kernel(
      body,
      out_type=out_type,
      mesh=mesh,
      scratch_types=scratch,
      compiler_params=pltpu.CompilerParams(use_tc_tiling_on_sc=True),
      name=f"sage_sc_agg{'_deg' if want_deg else ''}",
  )


_DN = (((1,), (1,)), ((), ()))


def _pre_body(x_ref, wl_ref, wr_ref, b_ref, xl_ref, xr_ref):
  xl_ref[...] = lax.dot_general(
      x_ref[...], wl_ref[...], _DN, preferred_element_type=jnp.float32)
  xr_ref[...] = lax.dot_general(
      x_ref[...], wr_ref[...], _DN, preferred_element_type=jnp.float32
  ) + b_ref[...]


def _mid_body(acc_ref, deg_ref, xr_ref, wl_ref, wr_ref, b_ref,
              h1l_ref, h1r_ref, dinv_ref):
  accs = acc_ref[0, :NN, :] + acc_ref[1, :NN, :]
  degs = deg_ref[0, :NN, :] + deg_ref[1, :NN, :]
  dinv = 1.0 / jnp.maximum(degs, 1.0)
  h1 = jnp.maximum(accs * dinv + xr_ref[...], 0.0)
  h1l_ref[...] = lax.dot_general(
      h1, wl_ref[...], _DN, preferred_element_type=jnp.float32)
  h1r_ref[...] = lax.dot_general(
      h1, wr_ref[...], _DN, preferred_element_type=jnp.float32) + b_ref[...]
  dinv_ref[...] = dinv


def _post_body(acc_ref, dinv_ref, h1r_ref, out_ref):
  accs = acc_ref[0, :NN, :] + acc_ref[1, :NN, :]
  out_ref[...] = accs * dinv_ref[...] + h1r_ref[...]


def kernel(x, edge_index, W1l, b1, W1r, W2l, b2, W2r):
  src = edge_index[0]
  dst = edge_index[1]
  f32 = jnp.float32
  sds = jax.ShapeDtypeStruct

  xl, xr = pl.pallas_call(
      _pre_body, out_shape=[sds((NN, DF), f32), sds((NN, DF), f32)],
  )(x, W1l, W1r, b1.reshape(1, DF))

  acc1, deg = _make_agg(True)(xl, src, dst)
  degc = deg.reshape(NC, NPAD, 1)

  h1l, h1r, dinv = pl.pallas_call(
      _mid_body,
      out_shape=[sds((NN, DF), f32), sds((NN, DF), f32), sds((NN, 1), f32)],
  )(acc1, degc, xr, W2l, W2r, b2.reshape(1, DF))

  acc2 = _make_agg(False)(h1l, src, dst)

  h2 = pl.pallas_call(
      _post_body, out_shape=sds((NN, DF), f32))(acc2, dinv, h1r)

  return h2

# --- scband reference (transcript-rebuilt; emitter-appended) ---
"""Pipeline reference for scband-sage-90013924590234 (READ-ONLY COPY).

The authoritative reference and input builder live on the scoring server;
editing this copy changes nothing except your own understanding.
"""

import jax, jax.numpy as jnp
import numpy as np

N = 10000
E = 320000
D_IN = 128
D1 = 128
D2 = 128


def setup_inputs(seed: int = 0) -> dict:
    key = jax.random.key(seed)
    ks = jax.random.split(key, 9)
    x = jax.random.normal(ks[0], (N, D_IN), dtype=jnp.float32)
    edge_index = jax.random.randint(ks[1], (2, E), 0, N, dtype=jnp.int32)
    s1 = 1.0 / np.sqrt(D_IN)
    s2 = 1.0 / np.sqrt(D1)
    W1l = jax.random.uniform(ks[2], (D1, D_IN), dtype=jnp.float32, minval=-s1, maxval=s1)
    W1r = jax.random.uniform(ks[3], (D1, D_IN), dtype=jnp.float32, minval=-s1, maxval=s1)
    b1 = jax.random.uniform(ks[4], (D1,), dtype=jnp.float32, minval=-s1, maxval=s1)
    W2l = jax.random.uniform(ks[5], (D2, D1), dtype=jnp.float32, minval=-s2, maxval=s2)
    W2r = jax.random.uniform(ks[6], (D2, D1), dtype=jnp.float32, minval=-s2, maxval=s2)
    b2 = jax.random.uniform(ks[7], (D2,), dtype=jnp.float32, minval=-s2, maxval=s2)
    return {"x": x, "edge_index": edge_index, "W1l": W1l, "b1": b1, "W1r": W1r, "W2l": W2l, "b2": b2, "W2r": W2r}


def _sage_conv(x, src, dst, Wl, bl, Wr, num_nodes):
    # PyG SAGEConv (aggr='mean', root_weight=True, normalize=False):
    # out_i = lin_l(mean_{j in N(i)} x_j) + lin_r(x_i)
    msgs = jnp.take(x, src, axis=0)
    agg = jax.ops.segment_sum(msgs, dst, num_segments=num_nodes)
    deg = jax.ops.segment_sum(jnp.ones((src.shape[0],), dtype=x.dtype), dst, num_segments=num_nodes)
    agg = agg / jnp.maximum(deg, 1.0)[:, None]
    return agg @ Wl.T + bl + x @ Wr.T


def reference(x, edge_index, W1l, b1, W1r, W2l, b2, W2r):
    src = edge_index[0]
    dst = edge_index[1]
    h1 = _sage_conv(x, src, dst, W1l, b1, W1r, N)
    h1 = jax.nn.relu(h1)
    # dropout treated as identity for a deterministic reference
    h2 = _sage_conv(h1, src, dst, W2l, b2, W2r, N)
    return h2

if __name__ == "__main__":
    import jax
    _d = setup_inputs()
    print(jax.jit(kernel)(*tuple(_d.values())))

</pallas_src>

<mosaic_0001>
#map = affine_map<(d0, d1) -> (0, 0)>
#map1 = affine_map<(d0, d1) -> (0)>
#map2 = affine_map<(d0, d1) -> (0, 0, 0)>
module attributes {stable_mosaic.version = 14 : i64} {
  func.func @sage_sc_agg(%arg0: i32, %arg1: i32, %arg2: memref<10000x128xf32, #tpu.memory_space<hbm>>, %arg3: memref<320000xi32, #tpu.memory_space<hbm>>, %arg4: memref<320000xi32, #tpu.memory_space<hbm>>, %arg5: memref<2x10240x128xf32, #tpu.memory_space<hbm>>, %arg6: memref<10000xi32, #tpu.memory_space<vmem>>, %arg7: memref<80xi32, #tpu.memory_space<vmem>>, %arg8: memref<80xi32, #tpu.memory_space<vmem>>, %arg9: memref<80x128xf32, #tpu.memory_space<vmem>>, %arg10: memref<80x128xf32, #tpu.memory_space<vmem>>, %arg11: memref<10240x128xf32, #tpu.memory_space<vmem_shared>>, %arg12: memref<!tpu.dma_semaphore, #tpu.memory_space<semaphore_mem>>, %arg13: memref<!tpu.dma_semaphore, #tpu.memory_space<semaphore_mem>>, %arg14: memref<!tpu.dma_semaphore, #tpu.memory_space<semaphore_mem>>, %arg15: memref<!tpu.dma_semaphore, #tpu.memory_space<semaphore_mem>>, %arg16: memref<!tpu.dma_semaphore, #tpu.memory_space<semaphore_mem>>, %arg17: memref<!tpu.dma_semaphore, #tpu.memory_space<semaphore_mem>>) attributes {dimension_semantics = [#tpu.dimension_semantics<core_parallel>, #tpu.dimension_semantics<subcore_parallel>], iteration_bounds = array<i64: 2, 16>, scalar_prefetch = 0 : i64, scratch_operands = 12 : i64, tpu.core_type = #tpu.core_type<sc_vector_subcore>, window_params = [{transform_indices = #map}, {transform_indices = #map1}, {transform_indices = #map1}, {transform_indices = #map2}]} {
    %mul3A = arith.constant 16 : i32
    %mul3A_0 = arith.muli %arg0, %mul3A : i32
    %add3A = arith.addi %mul3A_0, %arg1 : i32
    %mul3A_1 = arith.constant 10000 : i32
    %mul3A_2 = arith.muli %add3A, %mul3A_1 : i32
    "tpu.region"() ({
      %run_scoped3A = tpu.sem_alloc : memref<!tpu.dma_semaphore, #tpu.memory_space<semaphore_mem>>
      %dma_start3A_49 = tpu.memref_slice %arg3[%mul3A_2] : memref<320000xi32, #tpu.memory_space<hbm>> -> memref<10000xi32, #tpu.memory_space<hbm>>
      %dma_start3A_50 = tpu.memref_slice %arg3[%mul3A_2] : memref<320000xi32, #tpu.memory_space<hbm>> -> memref<10000xi32, #tpu.memory_space<hbm>>
      tpu.enqueue_dma source(%dma_start3A_50 : memref<10000xi32, #tpu.memory_space<hbm>>) target(%arg6 : memref<10000xi32, #tpu.memory_space<vmem>>) target_semaphore(%run_scoped3A : memref<!tpu.dma_semaphore, #tpu.memory_space<semaphore_mem>>)
      %dma_wait3A_51 = tpu.memref_slice %arg3[%mul3A_2] : memref<320000xi32, #tpu.memory_space<hbm>> -> memref<10000xi32, #tpu.memory_space<hbm>>
      %dma_wait3A_52 = tpu.memref_slice %arg3[%mul3A_2] : memref<320000xi32, #tpu.memory_space<hbm>> -> memref<10000xi32, #tpu.memory_space<hbm>>
      tpu.wait_dma2 semaphore(%run_scoped3A : memref<!tpu.dma_semaphore, #tpu.memory_space<semaphore_mem>>) src(%dma_wait3A_52 : memref<10000xi32, #tpu.memory_space<hbm>>) dst(%arg6 : memref<10000xi32, #tpu.memory_space<vmem>>)
      tpu.yield
    }) : () -> ()
    %broadcast_in_dim3A = arith.constant 0.000000e+00 : f32
    %broadcast_in_dim3A_3 = vector.broadcast %broadcast_in_dim3A : f32 to vector<16xf32>
    %scan3A = arith.constant 0 : i32
    %scan3A_4 = arith.constant 0 : i32
    %scan3A_5 = arith.constant 640 : i32
    %scan3A_6 = arith.addi %scan3A_4, %scan3A_5 : i32
    %scan3A_7 = arith.constant 1 : i32
    scf.for %scan3A_49 = %scan3A_4 to %scan3A_6 step %scan3A_7  : i32 {
      %jit3A = arith.constant 8 : i32
      %div3A = arith.divsi %scan3A_49, %jit3A : i32
      %sign3A = arith.constant 0 : i32
      %sign3A_50 = arith.cmpi sgt, %scan3A_49, %sign3A : i32
      %sign3A_51 = arith.extui %sign3A_50 : i1 to i32
      %sign3A_52 = arith.constant 0 : i32
      %sign3A_53 = arith.cmpi slt, %scan3A_49, %sign3A_52 : i32
      %sign3A_54 = arith.extui %sign3A_53 : i1 to i32
      %sign3A_55 = arith.subi %sign3A_51, %sign3A_54 : i32
      %sign3A_56 = arith.constant 0 : i32
      %sign3A_57 = arith.cmpi sgt, %jit3A, %sign3A_56 : i32
      %sign3A_58 = arith.extui %sign3A_57 : i1 to i32
      %sign3A_59 = arith.constant 0 : i32
      %sign3A_60 = arith.cmpi slt, %jit3A, %sign3A_59 : i32
      %sign3A_61 = arith.extui %sign3A_60 : i1 to i32
      %sign3A_62 = arith.subi %sign3A_58, %sign3A_61 : i32
      %ne3A = arith.cmpi ne, %sign3A_55, %sign3A_62 : i32
      %rem3A = arith.remsi %scan3A_49, %jit3A : i32
      %ne3A_63 = arith.constant 0 : i32
      %ne3A_64 = arith.cmpi ne, %rem3A, %ne3A_63 : i32
      %and3A = arith.andi %ne3A, %ne3A_64 : i1
      %sub3A = arith.constant 1 : i32
      %sub3A_65 = arith.subi %div3A, %sub3A : i32
      %select_n3A = arith.select %and3A, %sub3A_65, %div3A : i32
      %jit3A_66 = arith.constant 8 : i32
      %eq3A = arith.constant 0 : i32
      %eq3A_67 = arith.cmpi eq, %jit3A_66, %eq3A : i32
      %jit3A_68 = arith.constant 1 : i32
      %select_n3A_69 = arith.select %eq3A_67, %jit3A_68, %jit3A_66 : i32
      %rem3A_70 = arith.remsi %scan3A_49, %select_n3A_69 : i32
      %ne3A_71 = arith.constant 0 : i32
      %ne3A_72 = arith.cmpi ne, %rem3A_70, %ne3A_71 : i32
      %lt3A = arith.constant 0 : i32
      %lt3A_73 = arith.cmpi slt, %rem3A_70, %lt3A : i32
      %lt3A_74 = arith.constant 0 : i32
      %lt3A_75 = arith.cmpi slt, %select_n3A_69, %lt3A_74 : i32
      %ne3A_76 = arith.xori %lt3A_73, %lt3A_75 : i1
      %and3A_77 = arith.andi %ne3A_76, %ne3A_72 : i1
      %add3A_78 = arith.addi %rem3A_70, %select_n3A_69 : i32
      %select_n3A_79 = arith.select %and3A_77, %add3A_78, %rem3A_70 : i32
      %mul3A_80 = arith.constant 16 : i32
      %mul3A_81 = arith.muli %select_n3A_79, %mul3A_80 : i32
      %swap3A = arith.index_cast %select_n3A : i32 to index
      %swap3A_82 = arith.index_cast %mul3A_81 : i32 to index
      %swap3A_83 = tpu.vector_load %arg9[%swap3A, %swap3A_82] {strides = array<i32>} : memref<80x128xf32, #tpu.memory_space<vmem>>, vector<1x16xf32>,
      %swap3A_84 = vector.shape_cast %swap3A_83 : vector<1x16xf32> to vector<16xf32>
      %swap3A_85 = vector.shape_cast %broadcast_in_dim3A_3 : vector<16xf32> to vector<1x16xf32>
      tpu.vector_store %arg9[%swap3A, %swap3A_82], %swap3A_85 {strides = array<i32>} : memref<80x128xf32, #tpu.memory_space<vmem>>, vector<1x16xf32>,
    }
    %scan3A_8 = arith.constant 640 : i32
    %mul3A_9 = arith.constant 640 : i32
    %mul3A_10 = arith.muli %arg1, %mul3A_9 : i32
    %scan3A_11 = arith.constant 0 : i32
    %scan3A_12 = arith.constant 0 : i32
    %scan3A_13 = arith.constant 8 : i32
    %scan3A_14 = arith.addi %scan3A_12, %scan3A_13 : i32
    %scan3A_15 = arith.constant 1 : i32
    scf.for %scan3A_49 = %scan3A_12 to %scan3A_14 step %scan3A_15  : i32 {
      %mul3A_50 = arith.constant 80 : i32
      %mul3A_51 = arith.muli %scan3A_49, %mul3A_50 : i32
      %add3A_52 = arith.addi %mul3A_10, %mul3A_51 : i32
      %dma_start3A_53 = arith.constant 0 : i32
      %dma_start3A_54 = tpu.memref_slice %arg11[%add3A_52, %dma_start3A_53] : memref<10240x128xf32, #tpu.memory_space<vmem_shared>> -> memref<80x128xf32, #tpu.memory_space<vmem_shared>>
      %dma_start3A_55 = arith.constant 0 : i32
      %dma_start3A_56 = tpu.memref_slice %arg11[%add3A_52, %dma_start3A_55] : memref<10240x128xf32, #tpu.memory_space<vmem_shared>> -> memref<80x128xf32, #tpu.memory_space<vmem_shared>>
      tpu.enqueue_dma source(%arg9 : memref<80x128xf32, #tpu.memory_space<vmem>>) target(%dma_start3A_56 : memref<80x128xf32, #tpu.memory_space<vmem_shared>>) target_semaphore(%arg14 : memref<!tpu.dma_semaphore, #tpu.memory_space<semaphore_mem>>)
    }
    %scan3A_16 = arith.constant 8 : i32
    %scan3A_17 = arith.constant 0 : i32
    %scan3A_18 = arith.constant 0 : i32
    %scan3A_19 = arith.constant 8 : i32
    %scan3A_20 = arith.addi %scan3A_18, %scan3A_19 : i32
    %scan3A_21 = arith.constant 1 : i32
    scf.for %scan3A_49 = %scan3A_18 to %scan3A_20 step %scan3A_21  : i32 {
      %dma_wait3A_50 = arith.constant 0 : i32
      %dma_wait3A_51 = tpu.memref_slice %arg11[%mul3A_10, %dma_wait3A_50] : memref<10240x128xf32, #tpu.memory_space<vmem_shared>> -> memref<80x128xf32, #tpu.memory_space<vmem_shared>>
      %dma_wait3A_52 = arith.constant 0 : i32
      %dma_wait3A_53 = tpu.memref_slice %arg11[%mul3A_10, %dma_wait3A_52] : memref<10240x128xf32, #tpu.memory_space<vmem_shared>> -> memref<80x128xf32, #tpu.memory_space<vmem_shared>>
      tpu.wait_dma2 semaphore(%arg14 : memref<!tpu.dma_semaphore, #tpu.memory_space<semaphore_mem>>) src(%arg9 : memref<80x128xf32, #tpu.memory_space<vmem>>) dst(%dma_wait3A_53 : memref<80x128xf32, #tpu.memory_space<vmem_shared>>)
    }
    %scan3A_22 = arith.constant 8 : i32
    %barrier3A = arith.constant 0 : index
    tpu.barrier barrier_id(%barrier3A)
    %dma_start3A = arith.constant 0 : i32
    %dma_start3A_23 = tpu.memref_slice %arg6[%dma_start3A] : memref<10000xi32, #tpu.memory_space<vmem>> -> memref<80xi32, #tpu.memory_space<vmem>>
    %dma_start3A_24 = arith.constant 0 : i32
    %dma_start3A_25 = arith.constant 0 : i32
    %dma_start3A_26 = tpu.memref_slice %arg2[%dma_start3A_24, %dma_start3A_25] : memref<10000x128xf32, #tpu.memory_space<hbm>> -> memref<10000x128xf32, #tpu.memory_space<hbm>>
    tpu.enqueue_indirect_dma source(%dma_start3A_26 : memref<10000x128xf32, #tpu.memory_space<hbm>>) target(%arg9 : memref<80x128xf32, #tpu.memory_space<vmem>>) offsets(%dma_start3A_23 : memref<80xi32, #tpu.memory_space<vmem>>) semaphore(%arg12 : memref<!tpu.dma_semaphore, #tpu.memory_space<semaphore_mem>>)
    %add3A_27 = arith.constant 0 : i32
    %add3A_28 = arith.addi %mul3A_2, %add3A_27 : i32
    %dma_start3A_29 = tpu.memref_slice %arg4[%add3A_28] : memref<320000xi32, #tpu.memory_space<hbm>> -> memref<80xi32, #tpu.memory_space<hbm>>
    %dma_start3A_30 = tpu.memref_slice %arg4[%add3A_28] : memref<320000xi32, #tpu.memory_space<hbm>> -> memref<80xi32, #tpu.memory_space<hbm>>
    tpu.enqueue_dma source(%dma_start3A_30 : memref<80xi32, #tpu.memory_space<hbm>>) target(%arg7 : memref<80xi32, #tpu.memory_space<vmem>>) target_semaphore(%arg16 : memref<!tpu.dma_semaphore, #tpu.memory_space<semaphore_mem>>)
    %scan3A_31 = arith.constant 0 : i32
    %scan3A_32 = arith.constant 0 : i32
    %scan3A_33 = arith.constant 62 : i32
    %scan3A_34 = arith.addi %scan3A_32, %scan3A_33 : i32
    %scan3A_35 = arith.constant 1 : i32
    scf.for %scan3A_49 = %scan3A_32 to %scan3A_34 step %scan3A_35  : i32 {
      %mul3A_50 = arith.constant 2 : i32
      %mul3A_51 = arith.muli %mul3A_50, %scan3A_49 : i32
      %add3A_52 = arith.constant 1 : i32
      %add3A_53 = arith.addi %mul3A_51, %add3A_52 : i32
      %gt3A = arith.constant 0 : i32
      %gt3A_54 = arith.cmpi sgt, %scan3A_49, %gt3A : i32
      %convert_element_type3A = arith.extui %gt3A_54 : i1 to i32
      %cond3A = arith.constant 0 : i32
      %cond3A_55 = arith.cmpi ne, %convert_element_type3A, %cond3A : i32
      scf.if %cond3A_55 {
        %dma_wait3A_109 = arith.constant 0 : i32
        %dma_wait3A_110 = arith.constant 0 : i32
        %dma_wait3A_111 = tpu.memref_slice %arg11[%dma_wait3A_109, %dma_wait3A_110] : memref<10240x128xf32, #tpu.memory_space<vmem_shared>> -> memref<10240x128xf32, #tpu.memory_space<vmem_shared>>
        tpu.wait_indirect_dma semaphore(%arg15 : memref<!tpu.dma_semaphore, #tpu.memory_space<semaphore_mem>>) src(%arg10 : memref<80x128xf32, #tpu.memory_space<vmem>>) dst(%dma_wait3A_111 : memref<10240x128xf32, #tpu.memory_space<vmem_shared>>)
      } else {
      }
      %mul3A_56 = arith.constant 80 : i32
      %mul3A_57 = arith.muli %add3A_53, %mul3A_56 : i32
      %dma_start3A_58 = tpu.memref_slice %arg6[%mul3A_57] : memref<10000xi32, #tpu.memory_space<vmem>> -> memref<80xi32, #tpu.memory_space<vmem>>
      %dma_start3A_59 = arith.constant 0 : i32
      %dma_start3A_60 = arith.constant 0 : i32
      %dma_start3A_61 = tpu.memref_slice %arg2[%dma_start3A_59, %dma_start3A_60] : memref<10000x128xf32, #tpu.memory_space<hbm>> -> memref<10000x128xf32, #tpu.memory_space<hbm>>
      tpu.enqueue_indirect_dma source(%dma_start3A_61 : memref<10000x128xf32, #tpu.memory_space<hbm>>) target(%arg10 : memref<80x128xf32, #tpu.memory_space<vmem>>) offsets(%dma_start3A_58 : memref<80xi32, #tpu.memory_space<vmem>>) semaphore(%arg13 : memref<!tpu.dma_semaphore, #tpu.memory_space<semaphore_mem>>)
      %mul3A_62 = arith.constant 80 : i32
      %mul3A_63 = arith.muli %add3A_53, %mul3A_62 : i32
      %add3A_64 = arith.addi %mul3A_2, %mul3A_63 : i32
      %dma_start3A_65 = tpu.memref_slice %arg4[%add3A_64] : memref<320000xi32, #tpu.memory_space<hbm>> -> memref<80xi32, #tpu.memory_space<hbm>>
      %dma_start3A_66 = tpu.memref_slice %arg4[%add3A_64] : memref<320000xi32, #tpu.memory_space<hbm>> -> memref<80xi32, #tpu.memory_space<hbm>>
      tpu.enqueue_dma source(%dma_start3A_66 : memref<80xi32, #tpu.memory_space<hbm>>) target(%arg8 : memref<80xi32, #tpu.memory_space<vmem>>) target_semaphore(%arg17 : memref<!tpu.dma_semaphore, #tpu.memory_space<semaphore_mem>>)
      %dma_wait3A_67 = arith.constant 0 : i32
      %dma_wait3A_68 = tpu.memref_slice %arg6[%dma_wait3A_67] : memref<10000xi32, #tpu.memory_space<vmem>> -> memref<80xi32, #tpu.memory_space<vmem>>
      %dma_wait3A_69 = arith.constant 0 : i32
      %dma_wait3A_70 = arith.constant 0 : i32
      %dma_wait3A_71 = tpu.memref_slice %arg2[%dma_wait3A_69, %dma_wait3A_70] : memref<10000x128xf32, #tpu.memory_space<hbm>> -> memref<10000x128xf32, #tpu.memory_space<hbm>>
      tpu.wait_indirect_dma semaphore(%arg12 : memref<!tpu.dma_semaphore, #tpu.memory_space<semaphore_mem>>) src(%dma_wait3A_71 : memref<10000x128xf32, #tpu.memory_space<hbm>>) dst(%arg9 : memref<80x128xf32, #tpu.memory_space<vmem>>)
      %dma_wait3A_72 = arith.constant 0 : i32
      %dma_wait3A_73 = tpu.memref_slice %arg4[%dma_wait3A_72] : memref<320000xi32, #tpu.memory_space<hbm>> -> memref<80xi32, #tpu.memory_space<hbm>>
      %dma_wait3A_74 = arith.constant 0 : i32
      %dma_wait3A_75 = tpu.memref_slice %arg4[%dma_wait3A_74] : memref<320000xi32, #tpu.memory_space<hbm>> -> memref<80xi32, #tpu.memory_space<hbm>>
      tpu.wait_dma2 semaphore(%arg16 : memref<!tpu.dma_semaphore, #tpu.memory_space<semaphore_mem>>) src(%dma_wait3A_75 : memref<80xi32, #tpu.memory_space<hbm>>) dst(%arg7 : memref<80xi32, #tpu.memory_space<vmem>>)
      %dma_start3A_76 = arith.constant 0 : i32
      %dma_start3A_77 = arith.constant 0 : i32
      %dma_start3A_78 = tpu.memref_slice %arg11[%dma_start3A_76, %dma_start3A_77] : memref<10240x128xf32, #tpu.memory_space<vmem_shared>> -> memref<10240x128xf32, #tpu.memory_space<vmem_shared>>
      tpu.enqueue_indirect_dma source(%arg9 : memref<80x128xf32, #tpu.memory_space<vmem>>) target(%dma_start3A_78 : memref<10240x128xf32, #tpu.memory_space<vmem_shared>>) offsets(%arg7 : memref<80xi32, #tpu.memory_space<vmem>>) semaphore(%arg14 : memref<!tpu.dma_semaphore, #tpu.memory_space<semaphore_mem>>) {add = true}
      %dma_wait3A_79 = arith.constant 0 : i32
      %dma_wait3A_80 = arith.constant 0 : i32
      %dma_wait3A_81 = tpu.memref_slice %arg11[%dma_wait3A_79, %dma_wait3A_80] : memref<10240x128xf32, #tpu.memory_space<vmem_shared>> -> memref<10240x128xf32, #tpu.memory_space<vmem_shared>>
      tpu.wait_indirect_dma semaphore(%arg14 : memref<!tpu.dma_semaphore, #tpu.memory_space<semaphore_mem>>) src(%arg9 : memref<80x128xf32, #tpu.memory_space<vmem>>) dst(%dma_wait3A_81 : memref<10240x128xf32, #tpu.memory_space<vmem_shared>>)
      %add3A_82 = arith.constant 1 : i32
      %add3A_83 = arith.addi %add3A_53, %add3A_82 : i32
      %mul3A_84 = arith.constant 80 : i32
      %mul3A_85 = arith.muli %add3A_83, %mul3A_84 : i32
      %dma_start3A_86 = tpu.memref_slice %arg6[%mul3A_85] : memref<10000xi32, #tpu.memory_space<vmem>> -> memref<80xi32, #tpu.memory_space<vmem>>
      %dma_start3A_87 = arith.constant 0 : i32
      %dma_start3A_88 = arith.constant 0 : i32
      %dma_start3A_89 = tpu.memref_slice %arg2[%dma_start3A_87, %dma_start3A_88] : memref<10000x128xf32, #tpu.memory_space<hbm>> -> memref<10000x128xf32, #tpu.memory_space<hbm>>
      tpu.enqueue_indirect_dma source(%dma_start3A_89 : memref<10000x128xf32, #tpu.memory_space<hbm>>) target(%arg9 : memref<80x128xf32, #tpu.memory_space<vmem>>) offsets(%dma_start3A_86 : memref<80xi32, #tpu.memory_space<vmem>>) semaphore(%arg12 : memref<!tpu.dma_semaphore, #tpu.memory_space<semaphore_mem>>)
      %add3A_90 = arith.constant 1 : i32
      %add3A_91 = arith.addi %add3A_53, %add3A_90 : i32
      %mul3A_92 = arith.constant 80 : i32
      %mul3A_93 = arith.muli %add3A_91, %mul3A_92 : i32
      %add3A_94 = arith.addi %mul3A_2, %mul3A_93 : i32
      %dma_start3A_95 = tpu.memref_slice %arg4[%add3A_94] : memref<320000xi32, #tpu.memory_space<hbm>> -> memref<80xi32, #tpu.memory_space<hbm>>
      %dma_start3A_96 = tpu.memref_slice %arg4[%add3A_94] : memref<320000xi32, #tpu.memory_space<hbm>> -> memref<80xi32, #tpu.memory_space<hbm>>
      tpu.enqueue_dma source(%dma_start3A_96 : memref<80xi32, #tpu.memory_space<hbm>>) target(%arg7 : memref<80xi32, #tpu.memory_space<vmem>>) target_semaphore(%arg16 : memref<!tpu.dma_semaphore, #tpu.memory_space<semaphore_mem>>)
      %dma_wait3A_97 = arith.constant 0 : i32
      %dma_wait3A_98 = tpu.memref_slice %arg6[%dma_wait3A_97] : memref<10000xi32, #tpu.memory_space<vmem>> -> memref<80xi32, #tpu.memory_space<vmem>>
      %dma_wait3A_99 = arith.constant 0 : i32
      %dma_wait3A_100 = arith.constant 0 : i32
      %dma_wait3A_101 = tpu.memref_slice %arg2[%dma_wait3A_99, %dma_wait3A_100] : memref<10000x128xf32, #tpu.memory_space<hbm>> -> memref<10000x128xf32, #tpu.memory_space<hbm>>
      tpu.wait_indirect_dma semaphore(%arg13 : memref<!tpu.dma_semaphore, #tpu.memory_space<semaphore_mem>>) src(%dma_wait3A_101 : memref<10000x128xf32, #tpu.memory_space<hbm>>) dst(%arg10 : memref<80x128xf32, #tpu.memory_space<vmem>>)
      %dma_wait3A_102 = arith.constant 0 : i32
      %dma_wait3A_103 = tpu.memref_slice %arg4[%dma_wait3A_102] : memref<320000xi32, #tpu.memory_space<hbm>> -> memref<80xi32, #tpu.memory_space<hbm>>
      %dma_wait3A_104 = arith.constant 0 : i32
      %dma_wait3A_105 = tpu.memref_slice %arg4[%dma_wait3A_104] : memref<320000xi32, #tpu.memory_space<hbm>> -> memref<80xi32, #tpu.memory_space<hbm>>
      tpu.wait_dma2 semaphore(%arg17 : memref<!tpu.dma_semaphore, #tpu.memory_space<semaphore_mem>>) src(%dma_wait3A_105 : memref<80xi32, #tpu.memory_space<hbm>>) dst(%arg8 : memref<80xi32, #tpu.memory_space<vmem>>)
      %dma_start3A_106 = arith.constant 0 : i32
      %dma_start3A_107 = arith.constant 0 : i32
      %dma_start3A_108 = tpu.memref_slice %arg11[%dma_start3A_106, %dma_start3A_107] : memref<10240x128xf32, #tpu.memory_space<vmem_shared>> -> memref<10240x128xf32, #tpu.memory_space<vmem_shared>>
      tpu.enqueue_indirect_dma source(%arg10 : memref<80x128xf32, #tpu.memory_space<vmem>>) target(%dma_start3A_108 : memref<10240x128xf32, #tpu.memory_space<vmem_shared>>) offsets(%arg8 : memref<80xi32, #tpu.memory_space<vmem>>) semaphore(%arg15 : memref<!tpu.dma_semaphore, #tpu.memory_space<semaphore_mem>>) {add = true}
    }
    %scan3A_36 = arith.constant 62 : i32
    %dma_wait3A = arith.constant 0 : i32
    %dma_wait3A_37 = arith.constant 0 : i32
    %dma_wait3A_38 = tpu.memref_slice %arg11[%dma_wait3A, %dma_wait3A_37] : memref<10240x128xf32, #tpu.memory_space<vmem_shared>> -> memref<10240x128xf32, #tpu.memory_space<vmem_shared>>
    tpu.wait_indirect_dma semaphore(%arg15 : memref<!tpu.dma_semaphore, #tpu.memory_space<semaphore_mem>>) src(%arg10 : memref<80x128xf32, #tpu.memory_space<vmem>>) dst(%dma_wait3A_38 : memref<10240x128xf32, #tpu.memory_space<vmem_shared>>)
    %dma_wait3A_39 = arith.constant 0 : i32
    %dma_wait3A_40 = tpu.memref_slice %arg6[%dma_wait3A_39] : memref<10000xi32, #tpu.memory_space<vmem>> -> memref<80xi32, #tpu.memory_space<vmem>>
    %dma_wait3A_41 = arith.constant 0 : i32
    %dma_wait3A_42 = arith.constant 0 : i32
    %dma_wait3A_43 = tpu.memref_slice %arg2[%dma_wait3A_41, %dma_wait3A_42] : memref<10000x128xf32, #tpu.memory_space<hbm>> -> memref<10000x128xf32, #tpu.memory_space<hbm>>
    tpu.wait_indirect_dma semaphore(%arg12 : memref<!tpu.dma_semaphore, #tpu.memory_space<semaphore_mem>>) src(%dma_wait3A_43 : memref<10000x128xf32, #tpu.memory_space<hbm>>) dst(%arg9 : memref<80x128xf32, #tpu.memory_space<vmem>>)
    %dma_wait3A_44 = arith.constant 0 : i32
    %dma_wait3A_45 = tpu.memref_slice %arg4[%dma_wait3A_44] : memref<320000xi32, #tpu.memory_space<hbm>> -> memref<80xi32, #tpu.memory_space<hbm>>
    %dma_wait3A_46 = arith.constant 0 : i32
    %dma_wait3A_47 = tpu.memref_slice %arg4[%dma_wait3A_46] : memref<320000xi32, #tpu.memory_space<hbm>> -> memref<80xi32, #tpu.memory_space<hbm>>
    tpu.wait_dma2 semaphore(%arg16 : memref<!tpu.dma_semaphore, #tpu.memory_space<semaphore_mem>>) src(%dma_wait3A_47 : memref<80xi32, #tpu.memory_space<hbm>>) dst(%arg7 : memref<80xi32, #tpu.memory_space<vmem>>)
    "tpu.region"() ({
      %run_scoped3A = tpu.sem_alloc : memref<!tpu.dma_semaphore, #tpu.memory_space<semaphore_mem>>
      %dma_start3A_49 = arith.constant 0 : i32
      %dma_start3A_50 = arith.constant 0 : i32
      %dma_start3A_51 = tpu.memref_slice %arg11[%dma_start3A_49, %dma_start3A_50] : memref<10240x128xf32, #tpu.memory_space<vmem_shared>> -> memref<10240x128xf32, #tpu.memory_space<vmem_shared>>
      tpu.enqueue_indirect_dma source(%arg9 : memref<80x128xf32, #tpu.memory_space<vmem>>) target(%dma_start3A_51 : memref<10240x128xf32, #tpu.memory_space<vmem_shared>>) offsets(%arg7 : memref<80xi32, #tpu.memory_space<vmem>>) semaphore(%run_scoped3A : memref<!tpu.dma_semaphore, #tpu.memory_space<semaphore_mem>>) {add = true}
      %dma_wait3A_52 = arith.constant 0 : i32
      %dma_wait3A_53 = arith.constant 0 : i32
      %dma_wait3A_54 = tpu.memref_slice %arg11[%dma_wait3A_52, %dma_wait3A_53] : memref<10240x128xf32, #tpu.memory_space<vmem_shared>> -> memref<10240x128xf32, #tpu.memory_space<vmem_shared>>
      tpu.wait_indirect_dma semaphore(%run_scoped3A : memref<!tpu.dma_semaphore, #tpu.memory_space<semaphore_mem>>) src(%arg9 : memref<80x128xf32, #tpu.memory_space<vmem>>) dst(%dma_wait3A_54 : memref<10240x128xf32, #tpu.memory_space<vmem_shared>>)
      tpu.yield
    }) : () -> ()
    %barrier3A_48 = arith.constant 0 : index
    tpu.barrier barrier_id(%barrier3A_48)
    "tpu.region"() ({
      %run_scoped3A = tpu.sem_alloc : memref<!tpu.dma_semaphore, #tpu.memory_space<semaphore_mem>>
      %dma_start3A_49 = arith.constant 0 : i32
      %dma_start3A_50 = tpu.memref_slice %arg5[%arg0, %mul3A_10, %dma_start3A_49] : memref<2x10240x128xf32, #tpu.memory_space<hbm>> -> memref<1x640x128xf32, #tpu.memory_space<hbm>>
      %dma_start3A_51 = tpu.memref_squeeze %dma_start3A_50 : memref<1x640x128xf32, #tpu.memory_space<hbm>> -> memref<640x128xf32, #tpu.memory_space<hbm>>
      %dma_start3A_52 = arith.constant 0 : i32
      %dma_start3A_53 = tpu.memref_slice %arg11[%mul3A_10, %dma_start3A_52] : memref<10240x128xf32, #tpu.memory_space<vmem_shared>> -> memref<640x128xf32, #tpu.memory_space<vmem_shared>>
      tpu.enqueue_dma source(%dma_start3A_53 : memref<640x128xf32, #tpu.memory_space<vmem_shared>>) target(%dma_start3A_51 : memref<640x128xf32, #tpu.memory_space<hbm>>) target_semaphore(%run_scoped3A : memref<!tpu.dma_semaphore, #tpu.memory_space<semaphore_mem>>)
      %dma_wait3A_54 = arith.constant 0 : i32
      %dma_wait3A_55 = tpu.memref_slice %arg5[%arg0, %mul3A_10, %dma_wait3A_54] : memref<2x10240x128xf32, #tpu.memory_space<hbm>> -> memref<1x640x128xf32, #tpu.memory_space<hbm>>
      %dma_wait3A_56 = tpu.memref_squeeze %dma_wait3A_55 : memref<1x640x128xf32, #tpu.memory_space<hbm>> -> memref<640x128xf32, #tpu.memory_space<hbm>>
      %dma_wait3A_57 = arith.constant 0 : i32
      %dma_wait3A_58 = tpu.memref_slice %arg11[%mul3A_10, %dma_wait3A_57] : memref<10240x128xf32, #tpu.memory_space<vmem_shared>> -> memref<640x128xf32, #tpu.memory_space<vmem_shared>>
      tpu.wait_dma2 semaphore(%run_scoped3A : memref<!tpu.dma_semaphore, #tpu.memory_space<semaphore_mem>>) src(%dma_wait3A_58 : memref<640x128xf32, #tpu.memory_space<vmem_shared>>) dst(%dma_wait3A_56 : memref<640x128xf32, #tpu.memory_space<hbm>>)
      tpu.yield
    }) : () -> ()
    return
  }
}

#map = affine_map<(d0, d1) -> (0, 0)>
#map1 = affine_map<(d0, d1) -> (0)>
#map2 = affine_map<(d0, d1) -> (0, 0, 0)>
module attributes {stable_mosaic.version = 14 : i64} {
  func.func @sage_sc_agg_deg(%arg0: i32, %arg1: i32, %arg2: memref<10000x128xf32, #tpu.memory_space<hbm>>, %arg3: memref<320000xi32, #tpu.memory_space<hbm>>, %arg4: memref<320000xi32, #tpu.memory_space<hbm>>, %arg5: memref<2x10240x128xf32, #tpu.memory_space<hbm>>, %arg6: memref<20480xf32, #tpu.memory_space<hbm>>, %arg7: memref<10000xi32, #tpu.memory_space<vmem>>, %arg8: memref<80xi32, #tpu.memory_space<vmem>>, %arg9: memref<80xi32, #tpu.memory_space<vmem>>, %arg10: memref<80x128xf32, #tpu.memory_space<vmem>>, %arg11: memref<80x128xf32, #tpu.memory_space<vmem>>, %arg12: memref<80xf32, #tpu.memory_space<vmem>>, %arg13: memref<10240x128xf32, #tpu.memory_space<vmem_shared>>, %arg14: memref<10240xf32, #tpu.memory_space<vmem_shared>>, %arg15: memref<!tpu.dma_semaphore, #tpu.memory_space<semaphore_mem>>, %arg16: memref<!tpu.dma_semaphore, #tpu.memory_space<semaphore_mem>>, %arg17: memref<!tpu.dma_semaphore, #tpu.memory_space<semaphore_mem>>, %arg18: memref<!tpu.dma_semaphore, #tpu.memory_space<semaphore_mem>>, %arg19: memref<!tpu.dma_semaphore, #tpu.memory_space<semaphore_mem>>, %arg20: memref<!tpu.dma_semaphore, #tpu.memory_space<semaphore_mem>>, %arg21: memref<!tpu.dma_semaphore, #tpu.memory_space<semaphore_mem>>, %arg22: memref<!tpu.dma_semaphore, #tpu.memory_space<semaphore_mem>>) attributes {dimension_semantics = [#tpu.dimension_semantics<core_parallel>, #tpu.dimension_semantics<subcore_parallel>], iteration_bounds = array<i64: 2, 16>, scalar_prefetch = 0 : i64, scratch_operands = 16 : i64, tpu.core_type = #tpu.core_type<sc_vector_subcore>, window_params = [{transform_indices = #map}, {transform_indices = #map1}, {transform_indices = #map1}, {transform_indices = #map2}, {transform_indices = #map1}]} {
    %mul3A = arith.constant 16 : i32
    %mul3A_0 = arith.muli %arg0, %mul3A : i32
    %add3A = arith.addi %mul3A_0, %arg1 : i32
    %mul3A_1 = arith.constant 10000 : i32
    %mul3A_2 = arith.muli %add3A, %mul3A_1 : i32
    "tpu.region"() ({
      %run_scoped3A = tpu.sem_alloc : memref<!tpu.dma_semaphore, #tpu.memory_space<semaphore_mem>>
      %dma_start3A_74 = tpu.memref_slice %arg3[%mul3A_2] : memref<320000xi32, #tpu.memory_space<hbm>> -> memref<10000xi32, #tpu.memory_space<hbm>>
      %dma_start3A_75 = tpu.memref_slice %arg3[%mul3A_2] : memref<320000xi32, #tpu.memory_space<hbm>> -> memref<10000xi32, #tpu.memory_space<hbm>>
      tpu.enqueue_dma source(%dma_start3A_75 : memref<10000xi32, #tpu.memory_space<hbm>>) target(%arg7 : memref<10000xi32, #tpu.memory_space<vmem>>) target_semaphore(%run_scoped3A : memref<!tpu.dma_semaphore, #tpu.memory_space<semaphore_mem>>)
      %dma_wait3A_76 = tpu.memref_slice %arg3[%mul3A_2] : memref<320000xi32, #tpu.memory_space<hbm>> -> memref<10000xi32, #tpu.memory_space<hbm>>
      %dma_wait3A_77 = tpu.memref_slice %arg3[%mul3A_2] : memref<320000xi32, #tpu.memory_space<hbm>> -> memref<10000xi32, #tpu.memory_space<hbm>>
      tpu.wait_dma2 semaphore(%run_scoped3A : memref<!tpu.dma_semaphore, #tpu.memory_space<semaphore_mem>>) src(%dma_wait3A_77 : memref<10000xi32, #tpu.memory_space<hbm>>) dst(%arg7 : memref<10000xi32, #tpu.memory_space<vmem>>)
      tpu.yield
    }) : () -> ()
    %broadcast_in_dim3A = arith.constant 0.000000e+00 : f32
    %broadcast_in_dim3A_3 = vector.broadcast %broadcast_in_dim3A : f32 to vector<16xf32>
    %scan3A = arith.constant 0 : i32
    %scan3A_4 = arith.constant 0 : i32
    %scan3A_5 = arith.constant 640 : i32
    %scan3A_6 = arith.addi %scan3A_4, %scan3A_5 : i32
    %scan3A_7 = arith.constant 1 : i32
    scf.for %scan3A_74 = %scan3A_4 to %scan3A_6 step %scan3A_7  : i32 {
      %jit3A = arith.constant 8 : i32
      %div3A = arith.divsi %scan3A_74, %jit3A : i32
      %sign3A = arith.constant 0 : i32
      %sign3A_75 = arith.cmpi sgt, %scan3A_74, %sign3A : i32
      %sign3A_76 = arith.extui %sign3A_75 : i1 to i32
      %sign3A_77 = arith.constant 0 : i32
      %sign3A_78 = arith.cmpi slt, %scan3A_74, %sign3A_77 : i32
      %sign3A_79 = arith.extui %sign3A_78 : i1 to i32
      %sign3A_80 = arith.subi %sign3A_76, %sign3A_79 : i32
      %sign3A_81 = arith.constant 0 : i32
      %sign3A_82 = arith.cmpi sgt, %jit3A, %sign3A_81 : i32
      %sign3A_83 = arith.extui %sign3A_82 : i1 to i32
      %sign3A_84 = arith.constant 0 : i32
      %sign3A_85 = arith.cmpi slt, %jit3A, %sign3A_84 : i32
      %sign3A_86 = arith.extui %sign3A_85 : i1 to i32
      %sign3A_87 = arith.subi %sign3A_83, %sign3A_86 : i32
      %ne3A = arith.cmpi ne, %sign3A_80, %sign3A_87 : i32
      %rem3A = arith.remsi %scan3A_74, %jit3A : i32
      %ne3A_88 = arith.constant 0 : i32
      %ne3A_89 = arith.cmpi ne, %rem3A, %ne3A_88 : i32
      %and3A = arith.andi %ne3A, %ne3A_89 : i1
      %sub3A = arith.constant 1 : i32
      %sub3A_90 = arith.subi %div3A, %sub3A : i32
      %select_n3A = arith.select %and3A, %sub3A_90, %div3A : i32
      %jit3A_91 = arith.constant 8 : i32
      %eq3A = arith.constant 0 : i32
      %eq3A_92 = arith.cmpi eq, %jit3A_91, %eq3A : i32
      %jit3A_93 = arith.constant 1 : i32
      %select_n3A_94 = arith.select %eq3A_92, %jit3A_93, %jit3A_91 : i32
      %rem3A_95 = arith.remsi %scan3A_74, %select_n3A_94 : i32
      %ne3A_96 = arith.constant 0 : i32
      %ne3A_97 = arith.cmpi ne, %rem3A_95, %ne3A_96 : i32
      %lt3A = arith.constant 0 : i32
      %lt3A_98 = arith.cmpi slt, %rem3A_95, %lt3A : i32
      %lt3A_99 = arith.constant 0 : i32
      %lt3A_100 = arith.cmpi slt, %select_n3A_94, %lt3A_99 : i32
      %ne3A_101 = arith.xori %lt3A_98, %lt3A_100 : i1
      %and3A_102 = arith.andi %ne3A_101, %ne3A_97 : i1
      %add3A_103 = arith.addi %rem3A_95, %select_n3A_94 : i32
      %select_n3A_104 = arith.select %and3A_102, %add3A_103, %rem3A_95 : i32
      %mul3A_105 = arith.constant 16 : i32
      %mul3A_106 = arith.muli %select_n3A_104, %mul3A_105 : i32
      %swap3A = arith.index_cast %select_n3A : i32 to index
      %swap3A_107 = arith.index_cast %mul3A_106 : i32 to index
      %swap3A_108 = tpu.vector_load %arg10[%swap3A, %swap3A_107] {strides = array<i32>} : memref<80x128xf32, #tpu.memory_space<vmem>>, vector<1x16xf32>,
      %swap3A_109 = vector.shape_cast %swap3A_108 : vector<1x16xf32> to vector<16xf32>
      %swap3A_110 = vector.shape_cast %broadcast_in_dim3A_3 : vector<16xf32> to vector<1x16xf32>
      tpu.vector_store %arg10[%swap3A, %swap3A_107], %swap3A_110 {strides = array<i32>} : memref<80x128xf32, #tpu.memory_space<vmem>>, vector<1x16xf32>,
    }
    %scan3A_8 = arith.constant 640 : i32
    %mul3A_9 = arith.constant 640 : i32
    %mul3A_10 = arith.muli %arg1, %mul3A_9 : i32
    %scan3A_11 = arith.constant 0 : i32
    %scan3A_12 = arith.constant 0 : i32
    %scan3A_13 = arith.constant 8 : i32
    %scan3A_14 = arith.addi %scan3A_12, %scan3A_13 : i32
    %scan3A_15 = arith.constant 1 : i32
    scf.for %scan3A_74 = %scan3A_12 to %scan3A_14 step %scan3A_15  : i32 {
      %mul3A_75 = arith.constant 80 : i32
      %mul3A_76 = arith.muli %scan3A_74, %mul3A_75 : i32
      %add3A_77 = arith.addi %mul3A_10, %mul3A_76 : i32
      %dma_start3A_78 = arith.constant 0 : i32
      %dma_start3A_79 = tpu.memref_slice %arg13[%add3A_77, %dma_start3A_78] : memref<10240x128xf32, #tpu.memory_space<vmem_shared>> -> memref<80x128xf32, #tpu.memory_space<vmem_shared>>
      %dma_start3A_80 = arith.constant 0 : i32
      %dma_start3A_81 = tpu.memref_slice %arg13[%add3A_77, %dma_start3A_80] : memref<10240x128xf32, #tpu.memory_space<vmem_shared>> -> memref<80x128xf32, #tpu.memory_space<vmem_shared>>
      tpu.enqueue_dma source(%arg10 : memref<80x128xf32, #tpu.memory_space<vmem>>) target(%dma_start3A_81 : memref<80x128xf32, #tpu.memory_space<vmem_shared>>) target_semaphore(%arg17 : memref<!tpu.dma_semaphore, #tpu.memory_space<semaphore_mem>>)
    }
    %scan3A_16 = arith.constant 8 : i32
    %scan3A_17 = arith.constant 0 : i32
    %scan3A_18 = arith.constant 0 : i32
    %scan3A_19 = arith.constant 8 : i32
    %scan3A_20 = arith.addi %scan3A_18, %scan3A_19 : i32
    %scan3A_21 = arith.constant 1 : i32
    scf.for %scan3A_74 = %scan3A_18 to %scan3A_20 step %scan3A_21  : i32 {
      %dma_wait3A_75 = arith.constant 0 : i32
      %dma_wait3A_76 = tpu.memref_slice %arg13[%mul3A_10, %dma_wait3A_75] : memref<10240x128xf32, #tpu.memory_space<vmem_shared>> -> memref<80x128xf32, #tpu.memory_space<vmem_shared>>
      %dma_wait3A_77 = arith.constant 0 : i32
      %dma_wait3A_78 = tpu.memref_slice %arg13[%mul3A_10, %dma_wait3A_77] : memref<10240x128xf32, #tpu.memory_space<vmem_shared>> -> memref<80x128xf32, #tpu.memory_space<vmem_shared>>
      tpu.wait_dma2 semaphore(%arg17 : memref<!tpu.dma_semaphore, #tpu.memory_space<semaphore_mem>>) src(%arg10 : memref<80x128xf32, #tpu.memory_space<vmem>>) dst(%dma_wait3A_78 : memref<80x128xf32, #tpu.memory_space<vmem_shared>>)
    }
    %scan3A_22 = arith.constant 8 : i32
    %broadcast_in_dim3A_23 = arith.constant 1.000000e+00 : f32
    %broadcast_in_dim3A_24 = vector.broadcast %broadcast_in_dim3A_23 : f32 to vector<16xf32>
    %scan3A_25 = arith.constant 0 : i32
    %scan3A_26 = arith.constant 0 : i32
    %scan3A_27 = arith.constant 5 : i32
    %scan3A_28 = arith.addi %scan3A_26, %scan3A_27 : i32
    %scan3A_29 = arith.constant 1 : i32
    scf.for %scan3A_74 = %scan3A_26 to %scan3A_28 step %scan3A_29  : i32 {
      %mul3A_75 = arith.constant 16 : i32
      %mul3A_76 = arith.muli %scan3A_74, %mul3A_75 : i32
      %swap3A = arith.index_cast %mul3A_76 : i32 to index
      %swap3A_77 = tpu.vector_load %arg12[%swap3A] {strides = array<i32>} : memref<80xf32, #tpu.memory_space<vmem>>, vector<16xf32>,
      %swap3A_78 = vector.shape_cast %swap3A_77 : vector<16xf32> to vector<16xf32>
      %swap3A_79 = vector.shape_cast %broadcast_in_dim3A_24 : vector<16xf32> to vector<16xf32>
      tpu.vector_store %arg12[%swap3A], %swap3A_79 {strides = array<i32>} : memref<80xf32, #tpu.memory_space<vmem>>, vector<16xf32>,
    }
    %scan3A_30 = arith.constant 5 : i32
    %scan3A_31 = arith.constant 0 : i32
    %scan3A_32 = arith.constant 0 : i32
    %scan3A_33 = arith.constant 5 : i32
    %scan3A_34 = arith.addi %scan3A_32, %scan3A_33 : i32
    %scan3A_35 = arith.constant 1 : i32
    scf.for %scan3A_74 = %scan3A_32 to %scan3A_34 step %scan3A_35  : i32 {
      %mul3A_75 = arith.constant 128 : i32
      %mul3A_76 = arith.muli %scan3A_74, %mul3A_75 : i32
      %add3A_77 = arith.addi %mul3A_10, %mul3A_76 : i32
      %dma_start3A_78 = arith.constant 0 : i32
      %dma_start3A_79 = arith.constant 0 : i32
      %dma_start3A_80 = tpu.memref_slice %arg10[%dma_start3A_78, %dma_start3A_79] : memref<80x128xf32, #tpu.memory_space<vmem>> -> memref<1x128xf32, #tpu.memory_space<vmem>>
      %dma_start3A_81 = tpu.memref_squeeze %dma_start3A_80 : memref<1x128xf32, #tpu.memory_space<vmem>> -> memref<128xf32, #tpu.memory_space<vmem>>
      %dma_start3A_82 = tpu.memref_slice %arg14[%add3A_77] : memref<10240xf32, #tpu.memory_space<vmem_shared>> -> memref<128xf32, #tpu.memory_space<vmem_shared>>
      %dma_start3A_83 = tpu.memref_slice %arg14[%add3A_77] : memref<10240xf32, #tpu.memory_space<vmem_shared>> -> memref<128xf32, #tpu.memory_space<vmem_shared>>
      %dma_start3A_84 = arith.constant 0 : i32
      %dma_start3A_85 = tpu.memref_slice %arg10[%dma_start3A_78, %dma_start3A_84] : memref<80x128xf32, #tpu.memory_space<vmem>> -> memref<1x128xf32, #tpu.memory_space<vmem>>
      %dma_start3A_86 = tpu.memref_squeeze %dma_start3A_85 : memref<1x128xf32, #tpu.memory_space<vmem>> -> memref<128xf32, #tpu.memory_space<vmem>>
      tpu.enqueue_dma source(%dma_start3A_86 : memref<128xf32, #tpu.memory_space<vmem>>) target(%dma_start3A_83 : memref<128xf32, #tpu.memory_space<vmem_shared>>) target_semaphore(%arg18 : memref<!tpu.dma_semaphore, #tpu.memory_space<semaphore_mem>>)
    }
    %scan3A_36 = arith.constant 5 : i32
    %scan3A_37 = arith.constant 0 : i32
    %scan3A_38 = arith.constant 0 : i32
    %scan3A_39 = arith.constant 5 : i32
    %scan3A_40 = arith.addi %scan3A_38, %scan3A_39 : i32
    %scan3A_41 = arith.constant 1 : i32
    scf.for %scan3A_74 = %scan3A_38 to %scan3A_40 step %scan3A_41  : i32 {
      %dma_wait3A_75 = arith.constant 0 : i32
      %dma_wait3A_76 = arith.constant 0 : i32
      %dma_wait3A_77 = tpu.memref_slice %arg10[%dma_wait3A_75, %dma_wait3A_76] : memref<80x128xf32, #tpu.memory_space<vmem>> -> memref<1x128xf32, #tpu.memory_space<vmem>>
      %dma_wait3A_78 = tpu.memref_squeeze %dma_wait3A_77 : memref<1x128xf32, #tpu.memory_space<vmem>> -> memref<128xf32, #tpu.memory_space<vmem>>
      %dma_wait3A_79 = arith.constant 0 : i32
      %dma_wait3A_80 = tpu.memref_slice %arg14[%dma_wait3A_79] : memref<10240xf32, #tpu.memory_space<vmem_shared>> -> memref<128xf32, #tpu.memory_space<vmem_shared>>
      %dma_wait3A_81 = arith.constant 0 : i32
      %dma_wait3A_82 = tpu.memref_slice %arg14[%dma_wait3A_81] : memref<10240xf32, #tpu.memory_space<vmem_shared>> -> memref<128xf32, #tpu.memory_space<vmem_shared>>
      %dma_wait3A_83 = arith.constant 0 : i32
      %dma_wait3A_84 = tpu.memref_slice %arg10[%dma_wait3A_75, %dma_wait3A_83] : memref<80x128xf32, #tpu.memory_space<vmem>> -> memref<1x128xf32, #tpu.memory_space<vmem>>
      %dma_wait3A_85 = tpu.memref_squeeze %dma_wait3A_84 : memref<1x128xf32, #tpu.memory_space<vmem>> -> memref<128xf32, #tpu.memory_space<vmem>>
      tpu.wait_dma2 semaphore(%arg18 : memref<!tpu.dma_semaphore, #tpu.memory_space<semaphore_mem>>) src(%dma_wait3A_85 : memref<128xf32, #tpu.memory_space<vmem>>) dst(%dma_wait3A_82 : memref<128xf32, #tpu.memory_space<vmem_shared>>)
    }
    %scan3A_42 = arith.constant 5 : i32
    %barrier3A = arith.constant 0 : index
    tpu.barrier barrier_id(%barrier3A)
    %dma_start3A = arith.constant 0 : i32
    %dma_start3A_43 = tpu.memref_slice %arg7[%dma_start3A] : memref<10000xi32, #tpu.memory_space<vmem>> -> memref<80xi32, #tpu.memory_space<vmem>>
    %dma_start3A_44 = arith.constant 0 : i32
    %dma_start3A_45 = arith.constant 0 : i32
    %dma_start3A_46 = tpu.memref_slice %arg2[%dma_start3A_44, %dma_start3A_45] : memref<10000x128xf32, #tpu.memory_space<hbm>> -> memref<10000x128xf32, #tpu.memory_space<hbm>>
    tpu.enqueue_indirect_dma source(%dma_start3A_46 : memref<10000x128xf32, #tpu.memory_space<hbm>>) target(%arg10 : memref<80x128xf32, #tpu.memory_space<vmem>>) offsets(%dma_start3A_43 : memref<80xi32, #tpu.memory_space<vmem>>) semaphore(%arg15 : memref<!tpu.dma_semaphore, #tpu.memory_space<semaphore_mem>>)
    %add3A_47 = arith.constant 0 : i32
    %add3A_48 = arith.addi %mul3A_2, %add3A_47 : i32
    %dma_start3A_49 = tpu.memref_slice %arg4[%add3A_48] : memref<320000xi32, #tpu.memory_space<hbm>> -> memref<80xi32, #tpu.memory_space<hbm>>
    %dma_start3A_50 = tpu.memref_slice %arg4[%add3A_48] : memref<320000xi32, #tpu.memory_space<hbm>> -> memref<80xi32, #tpu.memory_space<hbm>>
    tpu.enqueue_dma source(%dma_start3A_50 : memref<80xi32, #tpu.memory_space<hbm>>) target(%arg8 : memref<80xi32, #tpu.memory_space<vmem>>) target_semaphore(%arg19 : memref<!tpu.dma_semaphore, #tpu.memory_space<semaphore_mem>>)
    %scan3A_51 = arith.constant 0 : i32
    %scan3A_52 = arith.constant 0 : i32
    %scan3A_53 = arith.constant 62 : i32
    %scan3A_54 = arith.addi %scan3A_52, %scan3A_53 : i32
    %scan3A_55 = arith.constant 1 : i32
    scf.for %scan3A_74 = %scan3A_52 to %scan3A_54 step %scan3A_55  : i32 {
      %mul3A_75 = arith.constant 2 : i32
      %mul3A_76 = arith.muli %mul3A_75, %scan3A_74 : i32
      %add3A_77 = arith.constant 1 : i32
      %add3A_78 = arith.addi %mul3A_76, %add3A_77 : i32
      %gt3A = arith.constant 0 : i32
      %gt3A_79 = arith.cmpi sgt, %scan3A_74, %gt3A : i32
      %convert_element_type3A = arith.extui %gt3A_79 : i1 to i32
      %cond3A = arith.constant 0 : i32
      %cond3A_80 = arith.cmpi ne, %convert_element_type3A, %cond3A : i32
      scf.if %cond3A_80 {
        %dma_wait3A_140 = arith.constant 0 : i32
        %dma_wait3A_141 = arith.constant 0 : i32
        %dma_wait3A_142 = tpu.memref_slice %arg13[%dma_wait3A_140, %dma_wait3A_141] : memref<10240x128xf32, #tpu.memory_space<vmem_shared>> -> memref<10240x128xf32, #tpu.memory_space<vmem_shared>>
        tpu.wait_indirect_dma semaphore(%arg18 : memref<!tpu.dma_semaphore, #tpu.memory_space<semaphore_mem>>) src(%arg11 : memref<80x128xf32, #tpu.memory_space<vmem>>) dst(%dma_wait3A_142 : memref<10240x128xf32, #tpu.memory_space<vmem_shared>>)
        %dma_wait3A_143 = arith.constant 0 : i32
        %dma_wait3A_144 = tpu.memref_slice %arg14[%dma_wait3A_143] : memref<10240xf32, #tpu.memory_space<vmem_shared>> -> memref<10240xf32, #tpu.memory_space<vmem_shared>>
        tpu.wait_indirect_dma semaphore(%arg22 : memref<!tpu.dma_semaphore, #tpu.memory_space<semaphore_mem>>) src(%arg12 : memref<80xf32, #tpu.memory_space<vmem>>) dst(%dma_wait3A_144 : memref<10240xf32, #tpu.memory_space<vmem_shared>>)
      } else {
      }
      %mul3A_81 = arith.constant 80 : i32
      %mul3A_82 = arith.muli %add3A_78, %mul3A_81 : i32
      %dma_start3A_83 = tpu.memref_slice %arg7[%mul3A_82] : memref<10000xi32, #tpu.memory_space<vmem>> -> memref<80xi32, #tpu.memory_space<vmem>>
      %dma_start3A_84 = arith.constant 0 : i32
      %dma_start3A_85 = arith.constant 0 : i32
      %dma_start3A_86 = tpu.memref_slice %arg2[%dma_start3A_84, %dma_start3A_85] : memref<10000x128xf32, #tpu.memory_space<hbm>> -> memref<10000x128xf32, #tpu.memory_space<hbm>>
      tpu.enqueue_indirect_dma source(%dma_start3A_86 : memref<10000x128xf32, #tpu.memory_space<hbm>>) target(%arg11 : memref<80x128xf32, #tpu.memory_space<vmem>>) offsets(%dma_start3A_83 : memref<80xi32, #tpu.memory_space<vmem>>) semaphore(%arg16 : memref<!tpu.dma_semaphore, #tpu.memory_space<semaphore_mem>>)
      %mul3A_87 = arith.constant 80 : i32
      %mul3A_88 = arith.muli %add3A_78, %mul3A_87 : i32
      %add3A_89 = arith.addi %mul3A_2, %mul3A_88 : i32
      %dma_start3A_90 = tpu.memref_slice %arg4[%add3A_89] : memref<320000xi32, #tpu.memory_space<hbm>> -> memref<80xi32, #tpu.memory_space<hbm>>
      %dma_start3A_91 = tpu.memref_slice %arg4[%add3A_89] : memref<320000xi32, #tpu.memory_space<hbm>> -> memref<80xi32, #tpu.memory_space<hbm>>
      tpu.enqueue_dma source(%dma_start3A_91 : memref<80xi32, #tpu.memory_space<hbm>>) target(%arg9 : memref<80xi32, #tpu.memory_space<vmem>>) target_semaphore(%arg20 : memref<!tpu.dma_semaphore, #tpu.memory_space<semaphore_mem>>)
      %dma_wait3A_92 = arith.constant 0 : i32
      %dma_wait3A_93 = tpu.memref_slice %arg7[%dma_wait3A_92] : memref<10000xi32, #tpu.memory_space<vmem>> -> memref<80xi32, #tpu.memory_space<vmem>>
      %dma_wait3A_94 = arith.constant 0 : i32
      %dma_wait3A_95 = arith.constant 0 : i32
      %dma_wait3A_96 = tpu.memref_slice %arg2[%dma_wait3A_94, %dma_wait3A_95] : memref<10000x128xf32, #tpu.memory_space<hbm>> -> memref<10000x128xf32, #tpu.memory_space<hbm>>
      tpu.wait_indirect_dma semaphore(%arg15 : memref<!tpu.dma_semaphore, #tpu.memory_space<semaphore_mem>>) src(%dma_wait3A_96 : memref<10000x128xf32, #tpu.memory_space<hbm>>) dst(%arg10 : memref<80x128xf32, #tpu.memory_space<vmem>>)
      %dma_wait3A_97 = arith.constant 0 : i32
      %dma_wait3A_98 = tpu.memref_slice %arg4[%dma_wait3A_97] : memref<320000xi32, #tpu.memory_space<hbm>> -> memref<80xi32, #tpu.memory_space<hbm>>
      %dma_wait3A_99 = arith.constant 0 : i32
      %dma_wait3A_100 = tpu.memref_slice %arg4[%dma_wait3A_99] : memref<320000xi32, #tpu.memory_space<hbm>> -> memref<80xi32, #tpu.memory_space<hbm>>
      tpu.wait_dma2 semaphore(%arg19 : memref<!tpu.dma_semaphore, #tpu.memory_space<semaphore_mem>>) src(%dma_wait3A_100 : memref<80xi32, #tpu.memory_space<hbm>>) dst(%arg8 : memref<80xi32, #tpu.memory_space<vmem>>)
      %dma_start3A_101 = arith.constant 0 : i32
      %dma_start3A_102 = arith.constant 0 : i32
      %dma_start3A_103 = tpu.memref_slice %arg13[%dma_start3A_101, %dma_start3A_102] : memref<10240x128xf32, #tpu.memory_space<vmem_shared>> -> memref<10240x128xf32, #tpu.memory_space<vmem_shared>>
      tpu.enqueue_indirect_dma source(%arg10 : memref<80x128xf32, #tpu.memory_space<vmem>>) target(%dma_start3A_103 : memref<10240x128xf32, #tpu.memory_space<vmem_shared>>) offsets(%arg8 : memref<80xi32, #tpu.memory_space<vmem>>) semaphore(%arg17 : memref<!tpu.dma_semaphore, #tpu.memory_space<semaphore_mem>>) {add = true}
      %dma_start3A_104 = arith.constant 0 : i32
      %dma_start3A_105 = tpu.memref_slice %arg14[%dma_start3A_104] : memref<10240xf32, #tpu.memory_space<vmem_shared>> -> memref<10240xf32, #tpu.memory_space<vmem_shared>>
      tpu.enqueue_indirect_dma source(%arg12 : memref<80xf32, #tpu.memory_space<vmem>>) target(%dma_start3A_105 : memref<10240xf32, #tpu.memory_space<vmem_shared>>) offsets(%arg8 : memref<80xi32, #tpu.memory_space<vmem>>) semaphore(%arg21 : memref<!tpu.dma_semaphore, #tpu.memory_space<semaphore_mem>>) {add = true}
      %dma_wait3A_106 = arith.constant 0 : i32
      %dma_wait3A_107 = arith.constant 0 : i32
      %dma_wait3A_108 = tpu.memref_slice %arg13[%dma_wait3A_106, %dma_wait3A_107] : memref<10240x128xf32, #tpu.memory_space<vmem_shared>> -> memref<10240x128xf32, #tpu.memory_space<vmem_shared>>
      tpu.wait_indirect_dma semaphore(%arg17 : memref<!tpu.dma_semaphore, #tpu.memory_space<semaphore_mem>>) src(%arg10 : memref<80x128xf32, #tpu.memory_space<vmem>>) dst(%dma_wait3A_108 : memref<10240x128xf32, #tpu.memory_space<vmem_shared>>)
      %dma_wait3A_109 = arith.constant 0 : i32
      %dma_wait3A_110 = tpu.memref_slice %arg14[%dma_wait3A_109] : memref<10240xf32, #tpu.memory_space<vmem_shared>> -> memref<10240xf32, #tpu.memory_space<vmem_shared>>
      tpu.wait_indirect_dma semaphore(%arg21 : memref<!tpu.dma_semaphore, #tpu.memory_space<semaphore_mem>>) src(%arg12 : memref<80xf32, #tpu.memory_space<vmem>>) dst(%dma_wait3A_110 : memref<10240xf32, #tpu.memory_space<vmem_shared>>)
      %add3A_111 = arith.constant 1 : i32
      %add3A_112 = arith.addi %add3A_78, %add3A_111 : i32
      %mul3A_113 = arith.constant 80 : i32
      %mul3A_114 = arith.muli %add3A_112, %mul3A_113 : i32
      %dma_start3A_115 = tpu.memref_slice %arg7[%mul3A_114] : memref<10000xi32, #tpu.memory_space<vmem>> -> memref<80xi32, #tpu.memory_space<vmem>>
      %dma_start3A_116 = arith.constant 0 : i32
      %dma_start3A_117 = arith.constant 0 : i32
      %dma_start3A_118 = tpu.memref_slice %arg2[%dma_start3A_116, %dma_start3A_117] : memref<10000x128xf32, #tpu.memory_space<hbm>> -> memref<10000x128xf32, #tpu.memory_space<hbm>>
      tpu.enqueue_indirect_dma source(%dma_start3A_118 : memref<10000x128xf32, #tpu.memory_space<hbm>>) target(%arg10 : memref<80x128xf32, #tpu.memory_space<vmem>>) offsets(%dma_start3A_115 : memref<80xi32, #tpu.memory_space<vmem>>) semaphore(%arg15 : memref<!tpu.dma_semaphore, #tpu.memory_space<semaphore_mem>>)
      %add3A_119 = arith.constant 1 : i32
      %add3A_120 = arith.addi %add3A_78, %add3A_119 : i32
      %mul3A_121 = arith.constant 80 : i32
      %mul3A_122 = arith.muli %add3A_120, %mul3A_121 : i32
      %add3A_123 = arith.addi %mul3A_2, %mul3A_122 : i32
      %dma_start3A_124 = tpu.memref_slice %arg4[%add3A_123] : memref<320000xi32, #tpu.memory_space<hbm>> -> memref<80xi32, #tpu.memory_space<hbm>>
      %dma_start3A_125 = tpu.memref_slice %arg4[%add3A_123] : memref<320000xi32, #tpu.memory_space<hbm>> -> memref<80xi32, #tpu.memory_space<hbm>>
      tpu.enqueue_dma source(%dma_start3A_125 : memref<80xi32, #tpu.memory_space<hbm>>) target(%arg8 : memref<80xi32, #tpu.memory_space<vmem>>) target_semaphore(%arg19 : memref<!tpu.dma_semaphore, #tpu.memory_space<semaphore_mem>>)
      %dma_wait3A_126 = arith.constant 0 : i32
      %dma_wait3A_127 = tpu.memref_slice %arg7[%dma_wait3A_126] : memref<10000xi32, #tpu.memory_space<vmem>> -> memref<80xi32, #tpu.memory_space<vmem>>
      %dma_wait3A_128 = arith.constant 0 : i32
      %dma_wait3A_129 = arith.constant 0 : i32
      %dma_wait3A_130 = tpu.memref_slice %arg2[%dma_wait3A_128, %dma_wait3A_129] : memref<10000x128xf32, #tpu.memory_space<hbm>> -> memref<10000x128xf32, #tpu.memory_space<hbm>>
      tpu.wait_indirect_dma semaphore(%arg16 : memref<!tpu.dma_semaphore, #tpu.memory_space<semaphore_mem>>) src(%dma_wait3A_130 : memref<10000x128xf32, #tpu.memory_space<hbm>>) dst(%arg11 : memref<80x128xf32, #tpu.memory_space<vmem>>)
      %dma_wait3A_131 = arith.constant 0 : i32
      %dma_wait3A_132 = tpu.memref_slice %arg4[%dma_wait3A_131] : memref<320000xi32, #tpu.memory_space<hbm>> -> memref<80xi32, #tpu.memory_space<hbm>>
      %dma_wait3A_133 = arith.constant 0 : i32
      %dma_wait3A_134 = tpu.memref_slice %arg4[%dma_wait3A_133] : memref<320000xi32, #tpu.memory_space<hbm>> -> memref<80xi32, #tpu.memory_space<hbm>>
      tpu.wait_dma2 semaphore(%arg20 : memref<!tpu.dma_semaphore, #tpu.memory_space<semaphore_mem>>) src(%dma_wait3A_134 : memref<80xi32, #tpu.memory_space<hbm>>) dst(%arg9 : memref<80xi32, #tpu.memory_space<vmem>>)
      %dma_start3A_135 = arith.constant 0 : i32
      %dma_start3A_136 = arith.constant 0 : i32
      %dma_start3A_137 = tpu.memref_slice %arg13[%dma_start3A_135, %dma_start3A_136] : memref<10240x128xf32, #tpu.memory_space<vmem_shared>> -> memref<10240x128xf32, #tpu.memory_space<vmem_shared>>
      tpu.enqueue_indirect_dma source(%arg11 : memref<80x128xf32, #tpu.memory_space<vmem>>) target(%dma_start3A_137 : memref<10240x128xf32, #tpu.memory_space<vmem_shared>>) offsets(%arg9 : memref<80xi32, #tpu.memory_space<vmem>>) semaphore(%arg18 : memref<!tpu.dma_semaphore, #tpu.memory_space<semaphore_mem>>) {add = true}
      %dma_start3A_138 = arith.constant 0 : i32
      %dma_start3A_139 = tpu.memref_slice %arg14[%dma_start3A_138] : memref<10240xf32, #tpu.memory_space<vmem_shared>> -> memref<10240xf32, #tpu.memory_space<vmem_shared>>
      tpu.enqueue_indirect_dma source(%arg12 : memref<80xf32, #tpu.memory_space<vmem>>) target(%dma_start3A_139 : memref<10240xf32, #tpu.memory_space<vmem_shared>>) offsets(%arg9 : memref<80xi32, #tpu.memory_space<vmem>>) semaphore(%arg22 : memref<!tpu.dma_semaphore, #tpu.memory_space<semaphore_mem>>) {add = true}
    }
    %scan3A_56 = arith.constant 62 : i32
    %dma_wait3A = arith.constant 0 : i32
    %dma_wait3A_57 = arith.constant 0 : i32
    %dma_wait3A_58 = tpu.memref_slice %arg13[%dma_wait3A, %dma_wait3A_57] : memref<10240x128xf32, #tpu.memory_space<vmem_shared>> -> memref<10240x128xf32, #tpu.memory_space<vmem_shared>>
    tpu.wait_indirect_dma semaphore(%arg18 : memref<!tpu.dma_semaphore, #tpu.memory_space<semaphore_mem>>) src(%arg11 : memref<80x128xf32, #tpu.memory_space<vmem>>) dst(%dma_wait3A_58 : memref<10240x128xf32, #tpu.memory_space<vmem_shared>>)
    %dma_wait3A_59 = arith.constant 0 : i32
    %dma_wait3A_60 = tpu.memref_slice %arg14[%dma_wait3A_59] : memref<10240xf32, #tpu.memory_space<vmem_shared>> -> memref<10240xf32, #tpu.memory_space<vmem_shared>>
    tpu.wait_indirect_dma semaphore(%arg22 : memref<!tpu.dma_semaphore, #tpu.memory_space<semaphore_mem>>) src(%arg12 : memref<80xf32, #tpu.memory_space<vmem>>) dst(%dma_wait3A_60 : memref<10240xf32, #tpu.memory_space<vmem_shared>>)
    %dma_wait3A_61 = arith.constant 0 : i32
    %dma_wait3A_62 = tpu.memref_slice %arg7[%dma_wait3A_61] : memref<10000xi32, #tpu.memory_space<vmem>> -> memref<80xi32, #tpu.memory_space<vmem>>
    %dma_wait3A_63 = arith.constant 0 : i32
    %dma_wait3A_64 = arith.constant 0 : i32
    %dma_wait3A_65 = tpu.memref_slice %arg2[%dma_wait3A_63, %dma_wait3A_64] : memref<10000x128xf32, #tpu.memory_space<hbm>> -> memref<10000x128xf32, #tpu.memory_space<hbm>>
    tpu.wait_indirect_dma semaphore(%arg15 : memref<!tpu.dma_semaphore, #tpu.memory_space<semaphore_mem>>) src(%dma_wait3A_65 : memref<10000x128xf32, #tpu.memory_space<hbm>>) dst(%arg10 : memref<80x128xf32, #tpu.memory_space<vmem>>)
    %dma_wait3A_66 = arith.constant 0 : i32
    %dma_wait3A_67 = tpu.memref_slice %arg4[%dma_wait3A_66] : memref<320000xi32, #tpu.memory_space<hbm>> -> memref<80xi32, #tpu.memory_space<hbm>>
    %dma_wait3A_68 = arith.constant 0 : i32
    %dma_wait3A_69 = tpu.memref_slice %arg4[%dma_wait3A_68] : memref<320000xi32, #tpu.memory_space<hbm>> -> memref<80xi32, #tpu.memory_space<hbm>>
    tpu.wait_dma2 semaphore(%arg19 : memref<!tpu.dma_semaphore, #tpu.memory_space<semaphore_mem>>) src(%dma_wait3A_69 : memref<80xi32, #tpu.memory_space<hbm>>) dst(%arg8 : memref<80xi32, #tpu.memory_space<vmem>>)
    "tpu.region"() ({
      %run_scoped3A = tpu.sem_alloc : memref<!tpu.dma_semaphore, #tpu.memory_space<semaphore_mem>>
      %dma_start3A_74 = arith.constant 0 : i32
      %dma_start3A_75 = arith.constant 0 : i32
      %dma_start3A_76 = tpu.memref_slice %arg13[%dma_start3A_74, %dma_start3A_75] : memref<10240x128xf32, #tpu.memory_space<vmem_shared>> -> memref<10240x128xf32, #tpu.memory_space<vmem_shared>>
      tpu.enqueue_indirect_dma source(%arg10 : memref<80x128xf32, #tpu.memory_space<vmem>>) target(%dma_start3A_76 : memref<10240x128xf32, #tpu.memory_space<vmem_shared>>) offsets(%arg8 : memref<80xi32, #tpu.memory_space<vmem>>) semaphore(%run_scoped3A : memref<!tpu.dma_semaphore, #tpu.memory_space<semaphore_mem>>) {add = true}
      %dma_wait3A_77 = arith.constant 0 : i32
      %dma_wait3A_78 = arith.constant 0 : i32
      %dma_wait3A_79 = tpu.memref_slice %arg13[%dma_wait3A_77, %dma_wait3A_78] : memref<10240x128xf32, #tpu.memory_space<vmem_shared>> -> memref<10240x128xf32, #tpu.memory_space<vmem_shared>>
      tpu.wait_indirect_dma semaphore(%run_scoped3A : memref<!tpu.dma_semaphore, #tpu.memory_space<semaphore_mem>>) src(%arg10 : memref<80x128xf32, #tpu.memory_space<vmem>>) dst(%dma_wait3A_79 : memref<10240x128xf32, #tpu.memory_space<vmem_shared>>)
      tpu.yield
    }) : () -> ()
    "tpu.region"() ({
      %run_scoped3A = tpu.sem_alloc : memref<!tpu.dma_semaphore, #tpu.memory_space<semaphore_mem>>
      %dma_start3A_74 = arith.constant 0 : i32
      %dma_start3A_75 = tpu.memref_slice %arg14[%dma_start3A_74] : memref<10240xf32, #tpu.memory_space<vmem_shared>> -> memref<10240xf32, #tpu.memory_space<vmem_shared>>
      tpu.enqueue_indirect_dma source(%arg12 : memref<80xf32, #tpu.memory_space<vmem>>) target(%dma_start3A_75 : memref<10240xf32, #tpu.memory_space<vmem_shared>>) offsets(%arg8 : memref<80xi32, #tpu.memory_space<vmem>>) semaphore(%run_scoped3A : memref<!tpu.dma_semaphore, #tpu.memory_space<semaphore_mem>>) {add = true}
      %dma_wait3A_76 = arith.constant 0 : i32
      %dma_wait3A_77 = tpu.memref_slice %arg14[%dma_wait3A_76] : memref<10240xf32, #tpu.memory_space<vmem_shared>> -> memref<10240xf32, #tpu.memory_space<vmem_shared>>
      tpu.wait_indirect_dma semaphore(%run_scoped3A : memref<!tpu.dma_semaphore, #tpu.memory_space<semaphore_mem>>) src(%arg12 : memref<80xf32, #tpu.memory_space<vmem>>) dst(%dma_wait3A_77 : memref<10240xf32, #tpu.memory_space<vmem_shared>>)
      tpu.yield
    }) : () -> ()
    %barrier3A_70 = arith.constant 0 : index
    tpu.barrier barrier_id(%barrier3A_70)
    "tpu.region"() ({
      %run_scoped3A = tpu.sem_alloc : memref<!tpu.dma_semaphore, #tpu.memory_space<semaphore_mem>>
      %dma_start3A_74 = arith.constant 0 : i32
      %dma_start3A_75 = tpu.memref_slice %arg5[%arg0, %mul3A_10, %dma_start3A_74] : memref<2x10240x128xf32, #tpu.memory_space<hbm>> -> memref<1x640x128xf32, #tpu.memory_space<hbm>>
      %dma_start3A_76 = tpu.memref_squeeze %dma_start3A_75 : memref<1x640x128xf32, #tpu.memory_space<hbm>> -> memref<640x128xf32, #tpu.memory_space<hbm>>
      %dma_start3A_77 = arith.constant 0 : i32
      %dma_start3A_78 = tpu.memref_slice %arg13[%mul3A_10, %dma_start3A_77] : memref<10240x128xf32, #tpu.memory_space<vmem_shared>> -> memref<640x128xf32, #tpu.memory_space<vmem_shared>>
      tpu.enqueue_dma source(%dma_start3A_78 : memref<640x128xf32, #tpu.memory_space<vmem_shared>>) target(%dma_start3A_76 : memref<640x128xf32, #tpu.memory_space<hbm>>) target_semaphore(%run_scoped3A : memref<!tpu.dma_semaphore, #tpu.memory_space<semaphore_mem>>)
      %dma_wait3A_79 = arith.constant 0 : i32
      %dma_wait3A_80 = tpu.memref_slice %arg5[%arg0, %mul3A_10, %dma_wait3A_79] : memref<2x10240x128xf32, #tpu.memory_space<hbm>> -> memref<1x640x128xf32, #tpu.memory_space<hbm>>
      %dma_wait3A_81 = tpu.memref_squeeze %dma_wait3A_80 : memref<1x640x128xf32, #tpu.memory_space<hbm>> -> memref<640x128xf32, #tpu.memory_space<hbm>>
      %dma_wait3A_82 = arith.constant 0 : i32
      %dma_wait3A_83 = tpu.memref_slice %arg13[%mul3A_10, %dma_wait3A_82] : memref<10240x128xf32, #tpu.memory_space<vmem_shared>> -> memref<640x128xf32, #tpu.memory_space<vmem_shared>>
      tpu.wait_dma2 semaphore(%run_scoped3A : memref<!tpu.dma_semaphore, #tpu.memory_space<semaphore_mem>>) src(%dma_wait3A_83 : memref<640x128xf32, #tpu.memory_space<vmem_shared>>) dst(%dma_wait3A_81 : memref<640x128xf32, #tpu.memory_space<hbm>>)
      tpu.yield
    }) : () -> ()
    %mul3A_71 = arith.constant 10240 : i32
    %mul3A_72 = arith.muli %arg0, %mul3A_71 : i32
    %add3A_73 = arith.addi %mul3A_72, %mul3A_10 : i32
    "tpu.region"() ({
      %run_scoped3A = tpu.sem_alloc : memref<!tpu.dma_semaphore, #tpu.memory_space<semaphore_mem>>
      %dma_start3A_74 = tpu.memref_slice %arg6[%add3A_73] : memref<20480xf32, #tpu.memory_space<hbm>> -> memref<640xf32, #tpu.memory_space<hbm>>
      %dma_start3A_75 = tpu.memref_slice %arg14[%mul3A_10] : memref<10240xf32, #tpu.memory_space<vmem_shared>> -> memref<640xf32, #tpu.memory_space<vmem_shared>>
      tpu.enqueue_dma source(%dma_start3A_75 : memref<640xf32, #tpu.memory_space<vmem_shared>>) target(%dma_start3A_74 : memref<640xf32, #tpu.memory_space<hbm>>) target_semaphore(%run_scoped3A : memref<!tpu.dma_semaphore, #tpu.memory_space<semaphore_mem>>)
      %dma_wait3A_76 = tpu.memref_slice %arg6[%add3A_73] : memref<20480xf32, #tpu.memory_space<hbm>> -> memref<640xf32, #tpu.memory_space<hbm>>
      %dma_wait3A_77 = tpu.memref_slice %arg14[%mul3A_10] : memref<10240xf32, #tpu.memory_space<vmem_shared>> -> memref<640xf32, #tpu.memory_space<vmem_shared>>
      tpu.wait_dma2 semaphore(%run_scoped3A : memref<!tpu.dma_semaphore, #tpu.memory_space<semaphore_mem>>) src(%dma_wait3A_77 : memref<640xf32, #tpu.memory_space<vmem_shared>>) dst(%dma_wait3A_76 : memref<640xf32, #tpu.memory_space<hbm>>)
      tpu.yield
    }) : () -> ()
    return
  }
}

module attributes {stable_mosaic.version = 14 : i64} {
  func.func @_mid_body(%arg0: memref<2x10240x128xf32, #tpu.memory_space<vmem>>, %arg1: memref<2x10240x1xf32, #tpu.memory_space<vmem>>, %arg2: memref<10000x128xf32, #tpu.memory_space<vmem>>, %arg3: memref<128x128xf32, #tpu.memory_space<vmem>>, %arg4: memref<128x128xf32, #tpu.memory_space<vmem>>, %arg5: memref<1x128xf32, #tpu.memory_space<vmem>>, %arg6: memref<10000x128xf32, #tpu.memory_space<vmem>>, %arg7: memref<10000x128xf32, #tpu.memory_space<vmem>>, %arg8: memref<10000x1xf32, #tpu.memory_space<vmem>>) attributes {dimension_semantics = [], scalar_prefetch = 0 : i64, scratch_operands = 0 : i64, tpu.core_type = #tpu.core_type<tc>} {
    %get3A = arith.constant 0 : index
    %get3A_0 = arith.constant 0 : index
    %get3A_1 = arith.constant 0 : index
    %get3A_2 = vector.load %arg0[%get3A, %get3A_0, %get3A_1] : memref<2x10240x128xf32, #tpu.memory_space<vmem>>, vector<1x10000x128xf32>
    %get3A_3 = vector.shape_cast %get3A_2 : vector<1x10000x128xf32> to vector<10000x128xf32>
    %get3A_4 = arith.constant 1 : index
    %get3A_5 = arith.constant 0 : index
    %get3A_6 = arith.constant 0 : index
    %get3A_7 = vector.load %arg0[%get3A_4, %get3A_5, %get3A_6] : memref<2x10240x128xf32, #tpu.memory_space<vmem>>, vector<1x10000x128xf32>
    %get3A_8 = vector.shape_cast %get3A_7 : vector<1x10000x128xf32> to vector<10000x128xf32>
    %add3A = arith.addf %get3A_3, %get3A_8 : vector<10000x128xf32>
    %get3A_9 = arith.constant 0 : index
    %get3A_10 = arith.constant 0 : index
    %get3A_11 = arith.constant 0 : index
    %get3A_12 = vector.load %arg1[%get3A_9, %get3A_10, %get3A_11] : memref<2x10240x1xf32, #tpu.memory_space<vmem>>, vector<1x10000x1xf32>
    %get3A_13 = vector.shape_cast %get3A_12 : vector<1x10000x1xf32> to vector<10000x1xf32>
    %get3A_14 = arith.constant 1 : index
    %get3A_15 = arith.constant 0 : index
    %get3A_16 = arith.constant 0 : index
    %get3A_17 = vector.load %arg1[%get3A_14, %get3A_15, %get3A_16] : memref<2x10240x1xf32, #tpu.memory_space<vmem>>, vector<1x10000x1xf32>
    %get3A_18 = vector.shape_cast %get3A_17 : vector<1x10000x1xf32> to vector<10000x1xf32>
    %add3A_19 = arith.addf %get3A_13, %get3A_18 : vector<10000x1xf32>
    %max3A = arith.constant 1.000000e+00 : f32
    %max3A_20 = vector.broadcast %max3A : f32 to vector<10000x1xf32>
    %max3A_21 = arith.maximumf %add3A_19, %max3A_20 : vector<10000x1xf32>
    %div3A = arith.constant 1.000000e+00 : f32
    %div3A_22 = vector.broadcast %div3A : f32 to vector<10000x1xf32>
    %div3A_23 = arith.divf %div3A_22, %max3A_21 : vector<10000x1xf32>
    %mul3A = vector.broadcast %div3A_23 : vector<10000x1xf32> to vector<10000x128xf32>
    %mul3A_24 = arith.mulf %add3A, %mul3A : vector<10000x128xf32>
    %get3A_25 = arith.constant 0 : index
    %get3A_26 = arith.constant 0 : index
    %get3A_27 = vector.load %arg2[%get3A_25, %get3A_26] : memref<10000x128xf32, #tpu.memory_space<vmem>>, vector<10000x128xf32>
    %add3A_28 = arith.addf %mul3A_24, %get3A_27 : vector<10000x128xf32>
    %max3A_29 = arith.constant 0.000000e+00 : f32
    %max3A_30 = vector.broadcast %max3A_29 : f32 to vector<10000x128xf32>
    %max3A_31 = arith.maximumf %add3A_28, %max3A_30 : vector<10000x128xf32>
    %get3A_32 = arith.constant 0 : index
    %get3A_33 = arith.constant 0 : index
    %get3A_34 = vector.load %arg3[%get3A_32, %get3A_33] : memref<128x128xf32, #tpu.memory_space<vmem>>, vector<128x128xf32>
    %dot_general3A = arith.constant dense<0.000000e+00> : vector<10000x128xf32>
    %dot_general3A_35 = tpu.matmul %max3A_31, %get3A_34, %dot_general3A {dimension_numbers = #tpu.dot_dimension_numbers<[1], [1], [0], [0], [0, 0, 1, 0], [], []>, transpose_lhs_hint = false} : vector<10000x128xf32>, vector<128x128xf32>, vector<10000x128xf32> -> vector<10000x128xf32>
    %swap3A = arith.constant 0 : index
    %swap3A_36 = arith.constant 0 : index
    %swap3A_37 = vector.load %arg6[%swap3A, %swap3A_36] : memref<10000x128xf32, #tpu.memory_space<vmem>>, vector<10000x128xf32>
    tpu.vector_store %arg6[%swap3A, %swap3A_36], %dot_general3A_35 {strides = array<i32>} : memref<10000x128xf32, #tpu.memory_space<vmem>>, vector<10000x128xf32>,
    %get3A_38 = arith.constant 0 : index
    %get3A_39 = arith.constant 0 : index
    %get3A_40 = vector.load %arg4[%get3A_38, %get3A_39] : memref<128x128xf32, #tpu.memory_space<vmem>>, vector<128x128xf32>
    %dot_general3A_41 = arith.constant dense<0.000000e+00> : vector<10000x128xf32>
    %dot_general3A_42 = tpu.matmul %max3A_31, %get3A_40, %dot_general3A_41 {dimension_numbers = #tpu.dot_dimension_numbers<[1], [1], [0], [0], [0, 0, 1, 0], [], []>, transpose_lhs_hint = false} : vector<10000x128xf32>, vector<128x128xf32>, vector<10000x128xf32> -> vector<10000x128xf32>
    %get3A_43 = arith.constant 0 : index
    %get3A_44 = arith.constant 0 : index
    %get3A_45 = vector.load %arg5[%get3A_43, %get3A_44] : memref<1x128xf32, #tpu.memory_space<vmem>>, vector<1x128xf32>
    %add3A_46 = vector.broadcast %get3A_45 : vector<1x128xf32> to vector<10000x128xf32>
    %add3A_47 = arith.addf %dot_general3A_42, %add3A_46 : vector<10000x128xf32>
    %swap3A_48 = arith.constant 0 : index
    %swap3A_49 = arith.constant 0 : index
    %swap3A_50 = vector.load %arg7[%swap3A_48, %swap3A_49] : memref<10000x128xf32, #tpu.memory_space<vmem>>, vector<10000x128xf32>
    tpu.vector_store %arg7[%swap3A_48, %swap3A_49], %add3A_47 {strides = array<i32>} : memref<10000x128xf32, #tpu.memory_space<vmem>>, vector<10000x128xf32>,
    %swap3A_51 = arith.constant 0 : index
    %swap3A_52 = arith.constant 0 : index
    %swap3A_53 = vector.load %arg8[%swap3A_51, %swap3A_52] : memref<10000x1xf32, #tpu.memory_space<vmem>>, vector<10000x1xf32>
    tpu.vector_store %arg8[%swap3A_51, %swap3A_52], %div3A_23 {strides = array<i32>} : memref<10000x1xf32, #tpu.memory_space<vmem>>, vector<10000x1xf32>,
    return
  }
}

module attributes {stable_mosaic.version = 14 : i64} {
  func.func @_pre_body(%arg0: memref<10000x128xf32, #tpu.memory_space<vmem>>, %arg1: memref<128x128xf32, #tpu.memory_space<vmem>>, %arg2: memref<128x128xf32, #tpu.memory_space<vmem>>, %arg3: memref<1x128xf32, #tpu.memory_space<vmem>>, %arg4: memref<10000x128xf32, #tpu.memory_space<vmem>>, %arg5: memref<10000x128xf32, #tpu.memory_space<vmem>>) attributes {dimension_semantics = [], scalar_prefetch = 0 : i64, scratch_operands = 0 : i64, tpu.core_type = #tpu.core_type<tc>} {
    %get3A = arith.constant 0 : index
    %get3A_0 = arith.constant 0 : index
    %get3A_1 = vector.load %arg0[%get3A, %get3A_0] : memref<10000x128xf32, #tpu.memory_space<vmem>>, vector<10000x128xf32>
    %get3A_2 = arith.constant 0 : index
    %get3A_3 = arith.constant 0 : index
    %get3A_4 = vector.load %arg1[%get3A_2, %get3A_3] : memref<128x128xf32, #tpu.memory_space<vmem>>, vector<128x128xf32>
    %dot_general3A = arith.constant dense<0.000000e+00> : vector<10000x128xf32>
    %dot_general3A_5 = tpu.matmul %get3A_1, %get3A_4, %dot_general3A {dimension_numbers = #tpu.dot_dimension_numbers<[1], [1], [0], [0], [0, 0, 1, 0], [], []>, transpose_lhs_hint = false} : vector<10000x128xf32>, vector<128x128xf32>, vector<10000x128xf32> -> vector<10000x128xf32>
    %swap3A = arith.constant 0 : index
    %swap3A_6 = arith.constant 0 : index
    %swap3A_7 = vector.load %arg4[%swap3A, %swap3A_6] : memref<10000x128xf32, #tpu.memory_space<vmem>>, vector<10000x128xf32>
    tpu.vector_store %arg4[%swap3A, %swap3A_6], %dot_general3A_5 {strides = array<i32>} : memref<10000x128xf32, #tpu.memory_space<vmem>>, vector<10000x128xf32>,
    %get3A_8 = arith.constant 0 : index
    %get3A_9 = arith.constant 0 : index
    %get3A_10 = vector.load %arg0[%get3A_8, %get3A_9] : memref<10000x128xf32, #tpu.memory_space<vmem>>, vector<10000x128xf32>
    %get3A_11 = arith.constant 0 : index
    %get3A_12 = arith.constant 0 : index
    %get3A_13 = vector.load %arg2[%get3A_11, %get3A_12] : memref<128x128xf32, #tpu.memory_space<vmem>>, vector<128x128xf32>
    %dot_general3A_14 = arith.constant dense<0.000000e+00> : vector<10000x128xf32>
    %dot_general3A_15 = tpu.matmul %get3A_10, %get3A_13, %dot_general3A_14 {dimension_numbers = #tpu.dot_dimension_numbers<[1], [1], [0], [0], [0, 0, 1, 0], [], []>, transpose_lhs_hint = false} : vector<10000x128xf32>, vector<128x128xf32>, vector<10000x128xf32> -> vector<10000x128xf32>
    %get3A_16 = arith.constant 0 : index
    %get3A_17 = arith.constant 0 : index
    %get3A_18 = vector.load %arg3[%get3A_16, %get3A_17] : memref<1x128xf32, #tpu.memory_space<vmem>>, vector<1x128xf32>
    %add3A = vector.broadcast %get3A_18 : vector<1x128xf32> to vector<10000x128xf32>
    %add3A_19 = arith.addf %dot_general3A_15, %add3A : vector<10000x128xf32>
    %swap3A_20 = arith.constant 0 : index
    %swap3A_21 = arith.constant 0 : index
    %swap3A_22 = vector.load %arg5[%swap3A_20, %swap3A_21] : memref<10000x128xf32, #tpu.memory_space<vmem>>, vector<10000x128xf32>
    tpu.vector_store %arg5[%swap3A_20, %swap3A_21], %add3A_19 {strides = array<i32>} : memref<10000x128xf32, #tpu.memory_space<vmem>>, vector<10000x128xf32>,
    return
  }
}

module attributes {stable_mosaic.version = 14 : i64} {
  func.func @_post_body(%arg0: memref<2x10240x128xf32, #tpu.memory_space<vmem>>, %arg1: memref<10000x1xf32, #tpu.memory_space<vmem>>, %arg2: memref<10000x128xf32, #tpu.memory_space<vmem>>, %arg3: memref<10000x128xf32, #tpu.memory_space<vmem>>) attributes {dimension_semantics = [], scalar_prefetch = 0 : i64, scratch_operands = 0 : i64, tpu.core_type = #tpu.core_type<tc>} {
    %get3A = arith.constant 0 : index
    %get3A_0 = arith.constant 0 : index
    %get3A_1 = arith.constant 0 : index
    %get3A_2 = vector.load %arg0[%get3A, %get3A_0, %get3A_1] : memref<2x10240x128xf32, #tpu.memory_space<vmem>>, vector<1x10000x128xf32>
    %get3A_3 = vector.shape_cast %get3A_2 : vector<1x10000x128xf32> to vector<10000x128xf32>
    %get3A_4 = arith.constant 1 : index
    %get3A_5 = arith.constant 0 : index
    %get3A_6 = arith.constant 0 : index
    %get3A_7 = vector.load %arg0[%get3A_4, %get3A_5, %get3A_6] : memref<2x10240x128xf32, #tpu.memory_space<vmem>>, vector<1x10000x128xf32>
    %get3A_8 = vector.shape_cast %get3A_7 : vector<1x10000x128xf32> to vector<10000x128xf32>
    %add3A = arith.addf %get3A_3, %get3A_8 : vector<10000x128xf32>
    %get3A_9 = arith.constant 0 : index
    %get3A_10 = arith.constant 0 : index
    %get3A_11 = vector.load %arg1[%get3A_9, %get3A_10] : memref<10000x1xf32, #tpu.memory_space<vmem>>, vector<10000x1xf32>
    %mul3A = vector.broadcast %get3A_11 : vector<10000x1xf32> to vector<10000x128xf32>
    %mul3A_12 = arith.mulf %add3A, %mul3A : vector<10000x128xf32>
    %get3A_13 = arith.constant 0 : index
    %get3A_14 = arith.constant 0 : index
    %get3A_15 = vector.load %arg2[%get3A_13, %get3A_14] : memref<10000x128xf32, #tpu.memory_space<vmem>>, vector<10000x128xf32>
    %add3A_16 = arith.addf %mul3A_12, %get3A_15 : vector<10000x128xf32>
    %swap3A = arith.constant 0 : index
    %swap3A_17 = arith.constant 0 : index
    %swap3A_18 = vector.load %arg3[%swap3A, %swap3A_17] : memref<10000x128xf32, #tpu.memory_space<vmem>>, vector<10000x128xf32>
    tpu.vector_store %arg3[%swap3A, %swap3A_17], %add3A_16 {strides = array<i32>} : memref<10000x128xf32, #tpu.memory_space<vmem>>, vector<10000x128xf32>,
    return
  }
}

</mosaic_0001>

<sc_bundles>
// kernel: sage_sc_agg.3.cloned.1.call-start
scs
__scs_entry_jumppad:
0x0: {  	(pc) =	sbr.rel $0x88, $3  }
0x1: {  	(tag) =	ssettag $0x0;
	lr =	simm.s32 $0x1  }
0x2: {  	[smem:$0x3F99] =	sst lr;
	_ =	strace $0xD0000000  }
0x3: {  	_ = 	snop  }
0x4: {  	_ = 	snop  }
0x5: {  	_ = 	snop  }
0x6: {  	_ = 	snop  }
0x7: {  	_ = 	snop  }
__scs_overlays_trampoline_lowered:
0x8: {  	[smem:$0x3FA8] =	sst s0  }
0x9: {  	[smem:$0x3FA9] =	sst s1  }
0xa: {  	[smem:$0x3FAA] =	sst s2  }
0xb: {  	[smem:$0x3FAB] =	sst s3  }
0xc: {  	[smem:$0x3FAC] =	sst s4  }
0xd: {  	[smem:$0x3FAD] =	sst s5  }
0xe: {  	[smem:$0x3FAE] =	sst s6  }
0xf: {  	[smem:$0x3FAF] =	sst s7  }
0x10: {  	[smem:$0x3FB0] =	sst s8  }
0x11: {  	[smem:$0x3FB1] =	sst s9;
	s0 =	simm.s32 @!p0 $0x0  }
0x12: {  	s1 =	sld [smem:$0x3F97];
	s0 =	simm.s32 @p0 $0x1  }
0x13: {  	[smem:$0x3FB2] =	sst s0;
	s0 =	simm.s32 @!p1 $0x0  }
0x14: {  	s2 =	sld [smem:$0x3F96];
	s0 =	simm.s32 @p1 $0x1  }
0x15: {  	[smem:$0x3FB3] =	sst s0;
	s0 =	simm.s32 @!p2 $0x0  }
0x16: {  	s3 =	sld [smem:$0x3FDB];
	s0 =	simm.s32 @p2 $0x1  }
0x17: {  	s4 =	simm.s32 $0x1BF5;
	[smem:$0x3FB5] =	sst s0  }
0x18: {  	s0 =	sld [smem:$0x3F98];
	_ =	swait.ge [sflag:s4], $0x0  }
0x19: {  	s7 =	sld [smem:$0x3F99]  }
0x1a: {  	s8 =	sadd.s32 $0xFFFFE003, lr  }
0x1b: {  	s9 =	sadd.s32 $0xFFFFFEF7, lr;
	s5 =	simm.s32 $0xFFFFFFFF;
	p2 =	slt.u32 s8, $0xFFFFF086  }
0x1c: {  	p1 =	slt.u32 s9, $0xF7A;
	s5 =	simm.s32 @!p2 $0x0  }
0x1d: {  	s5 =	simm.s32 @p1 $0x1;
	p0 =	seq.s32 s7, s2  }
0x1e: {  	s7 =	smul.u32 @!p0 $0xF7A, s2;
	p2 =	seq.s32 @!p0 s5, $0x0  }
0x1f: {  	s9 =	smul.u32 $0xF7A, s1;
	s8 =	simm.s32 @!p0 $0x1BF5;
	p2 =	por !p2, p0  }
0x20: {  	[sflag:s8] =	ssyncset.s32 @!p0 $0xFFFFF086;
	s6 =	sadd.s32 @!p0 s3, s7;
	s7 =	simm.s32 @!p0 $0x108  }
0x21: {  	s3 =	sadd.s32 s3, s9;
	s6 =	sadd.s32 @!p0 $0x88, s6;
	s7 =	simm.s32 @p2 $0x1082  }
0x22: {  	[simem:s7], [sflag:s8] =	dma.local @!p0 [hbm:s6], $0xF7A  }
0x23: {  	s9 =	sor.u32 $0xD0000000, s2;
	s6 =	simm.s32 $0x108;
	_ =	swait.ge @!p0 [sflag:s8], $0x0  }
0x24: {  	s3 =	sadd.s32 $0x88, s3;
	s6 =	simm.s32 @!p1 $0x1082;
	[sflag:s4] =	ssyncset.s32 $0xFFFFF086  }
0x25: {  	[simem:s6], [sflag:s4] =	dma.local [hbm:s3], $0xF7A  }
0x26: {  	[smem:$0x3F99] =	sst s1;
	(tag) =	ssettag s2;
	_ =	strace s9  }
0x27: {  	s1 =	sld [smem:$0x3FA9]  }
0x28: {  	s2 =	sld [smem:$0x3FAA]  }
0x29: {  	s4 =	sld [smem:$0x3FAC]  }
0x2a: {  	p0 =	seq.s32 s5, $0x0;
	s5 =	sld [smem:$0x3FAD]  }
0x2b: {  	s6 =	sld [smem:$0x3FAE]  }
0x2c: {  	s7 =	sld [smem:$0x3FAF]  }
0x2d: {  	s3 =	simm.s32 $0x108;
	s8 =	sld [smem:$0x3FB0]  }
0x2e: {  	s3 =	simm.s32 @!p0 $0x1082;
	s9 =	sld [smem:$0x3FB1]  }
0x2f: {  	lr =	sadd.s32 s0, s3;
	s0 =	sld [smem:$0x3FA8]  }
0x30: {  	s3 =	sld [smem:$0x3FAB]  }
0x31: {  	[smem:$0x3FB4] =	sst s10  }
0x32: {  	s10 =	sld [smem:$0x3FB2];
	_ =	sdelay $0x3  }
0x33: {  	p0 =	seq.s32 s10, $0x1;
	s10 =	sld [smem:$0x3FB4];
	_ =	sdelay $0x3  }
0x34: {  	[smem:$0x3FB4] =	sst s10  }
0x35: {  	s10 =	sld [smem:$0x3FB3];
	_ =	sdelay $0x3  }
0x36: {  	p1 =	seq.s32 s10, $0x1;
	s10 =	sld [smem:$0x3FB4];
	_ =	sdelay $0x3  }
0x37: {  	[smem:$0x3FB4] =	sst s10  }
0x38: {  	s10 =	sld [smem:$0x3FB5]  }
0x39: {  	_ = 	snop;
	(pc) =	sbr.ind lr, $3  }
0x3a: {  	_ = 	snop  }
0x3b: {  	_ = 	snop  }
0x3c: {  	p2 =	seq.s32 s10, $0x1;
	s10 =	sld [smem:$0x3FB4]  }
0x3d: {  	_ =	shalt  }
0x3e: {  	_ =	shalt  }
0x3f: {  	_ =	shalt  }
0x40: {  	_ =	shalt  }
0x41: {  	_ =	shalt  }
0x42: {  	_ =	shalt  }
0x43: {  	_ =	shalt  }
0x44: {  	_ =	shalt  }
0x45: {  	_ =	shalt  }
0x46: {  	_ =	shalt  }
0x47: {  	_ =	shalt  }
0x48: {  	_ =	shalt  }
0x49: {  	_ =	shalt  }
0x4a: {  	_ =	shalt  }
0x4b: {  	_ =	shalt  }
0x4c: {  	_ =	shalt  }
0x4d: {  	_ =	shalt  }
0x4e: {  	_ =	shalt  }
0x4f: {  	_ =	shalt  }
0x50: {  	_ =	shalt  }
0x51: {  	_ =	shalt  }
0x52: {  	_ =	shalt  }
0x53: {  	_ =	shalt  }
0x54: {  	_ =	shalt  }
0x55: {  	_ =	shalt  }
0x56: {  	_ =	shalt  }
0x57: {  	_ =	shalt  }
0x58: {  	_ =	shalt  }
0x59: {  	_ =	shalt  }
0x5a: {  	_ =	shalt  }
0x5b: {  	_ =	shalt  }
0x5c: {  	_ =	shalt  }
0x5d: {  	_ =	shalt  }
0x5e: {  	_ =	shalt  }
0x5f: {  	_ =	shalt  }
0x60: {  	_ =	shalt  }
0x61: {  	_ =	shalt  }
0x62: {  	_ =	shalt  }
0x63: {  	_ =	shalt  }
0x64: {  	_ =	shalt  }
0x65: {  	_ =	shalt  }
0x66: {  	_ =	shalt  }
0x67: {  	_ =	shalt  }
0x68: {  	_ =	shalt  }
0x69: {  	_ =	shalt  }
0x6a: {  	_ =	shalt  }
0x6b: {  	_ =	shalt  }
0x6c: {  	_ =	shalt  }
0x6d: {  	_ =	shalt  }
0x6e: {  	_ =	shalt  }
0x6f: {  	_ =	shalt  }
0x70: {  	_ =	shalt  }
0x71: {  	_ =	shalt  }
0x72: {  	_ =	shalt  }
0x73: {  	_ =	shalt  }
0x74: {  	_ =	shalt  }
0x75: {  	_ =	shalt  }
0x76: {  	_ =	shalt  }
0x77: {  	_ =	shalt  }
0x78: {  	_ =	shalt  }
0x79: {  	_ =	shalt  }
0x7a: {  	_ =	shalt  }
0x7b: {  	_ =	shalt  }
0x7c: {  	_ =	shalt  }
0x7d: {  	_ =	shalt  }
0x7e: {  	_ =	shalt  }
0x7f: {  	_ =	shalt  }
0x80: {  	_ =	shalt  }
0x81: {  	_ =	shalt  }
0x82: {  	_ =	shalt  }
0x83: {  	_ =	shalt  }
0x84: {  	_ =	shalt  }
0x85: {  	_ =	shalt  }
0x86: {  	_ =	shalt  }
0x87: {  	_ =	shalt  }
.Lfunc_end0:
.L_simem_size_0:
called_computation.1_lowered:
.L_overlay_start_0:
0x88: {  	s2 =	sld [smem:$0x3FD9]  }
0x89: {  	s3 =	sld [smem:$0x3FFE];
	_ =	sdelay $0x1  }
0x8a: {  	s1 =	srdreg.scid  }
0x8b: {  	s0 =	sand.u32 $0x1, s1  }
0x8c: {  	s17 =	sshll.u32 s0, $0xA;
	s2 =	sadd.s32 s3, s2  }
0x8d: {  	s2 =	sadd.s32 s2, s17  }
0x8e: {  	[smem:$0x3FC0] =	sst s2  }
0x8f: {  	_ = 	snop  }
0x90: {  	s2 =	sld [smem:$0x3FD0];
	(tm) =	ssettm $0x1  }
0x91: {  	s18 =	sld [smem:$0x3FFB];
	_ =	sdelay $0x3  }
0x92: {  	_ =	strace s18  }
0x93: {  	s3 =	sld [smem:$0x3FFC];
	_ =	sdelay $0x3  }
0x94: {  	_ =	strace s3  }
0x95: {  	s3 =	sld [smem:$0x3FFD];
	_ =	sdelay $0x3  }
0x96: {  	_ =	strace s3  }
0x97: {  	_ =	strace $0x8FFFFFFF  }
0x98: {  	s19 =	sld [smem:$0x3FDB];
	_ =	sdelay $0x1  }
0x99: {  	s4 =	simm.s32 $_scs_section_size  }
0x9a: {  	s5 =	simm.s32 $_size__tile_overlayer_lowered;
	s6 =	simm.s32 $_tile_overlayer_lowered  }
0x9b: {  	s22 =	simm.s32 $0x1BFF;
	s21 =	sshll.u32 s6, $0x1;
	s3 =	sadd.s32 s4, s19  }
0x9c: {  	s7 =	simm.s32 $0x0;
	s20 =	sshll.u32 s5, $0x1;
	s5 =	sadd.s32 s21, s3  }
0x9d: {  	[timem:s7], [sflag:s22] =	dma.local [hbm:s5], s20  }
0x9e: {  	_ =	swait.ge [sflag:s22], s20  }
0x9f: {  	s4 =	ssub.s32 $0x0, s20;
	[sflag:s22] =	ssyncset.done $0x0  }
0xa0: {  	[sflag:s22] =	ssyncadd.s32 s4;
	_ =	sdelay $0x1  }
0xa1: {  	s23 =	simm.s32 $0x1B8B  }
0xa2: {  	_ =	swait.ge [sflag:s23], $0x1  }
0xa3: {  	[sflag:s23] =	ssyncset.done $0x0  }
0xa4: {  	s25 =	simm.s32 $0x1B8E;
	s24 =	sld [smem:$0x3FFE];
	[sflag:s23] =	ssyncadd.s32 $0xFFFFFFFF  }
0xa5: {  	s26 =	simm.s32 $execute0_lowered;
	[smem:$0x3FD2] =	sst s25  }
0xa6: {  	s5 =	sshll.u32 s26, $0x1;
	_ =	strace $0x80000049;
	[dreg:$0x1] =	wrdreg $0xFFFFFFFF  }
0xa7: {  	s28 =	simm.s32 $_size_execute0_lowered;
	s3 =	sadd.s32 s3, s5;
	[dreg:$0x0] =	wrdreg $0x0  }
0xa8: {  	s5 =	sshll.u32 s28, $0x1;
	[dreg:$0x2] =	wrdreg s3  }
0xa9: {  	[dreg:$0x3] =	wrdreg s5  }
0xaa: {  	[dreg:$0x4] =	wrdreg $0xC0  }
0xab: {  	_ =	task [dreg:s7], $0x5FFFF  }
0xac: {  	[dreg:$0x1] =	wrdreg $0xFFFFFFFF  }
0xad: {  	[dreg:$0x0] =	wrdreg $0x60  }
0xae: {  	[dreg:$0x2] =	wrdreg s2  }
0xaf: {  	[dreg:$0x3] =	wrdreg s24  }
0xb0: {  	[dreg:$0x4] =	wrdreg $0x78800  }
0xb1: {  	[dreg:$0x5] =	wrdreg $0x9  }
0xb2: {  	_ =	task.clear_ibuf [dreg:s7], $0x6FFFF;
	_ =	strace $0x90000049  }
0xb3: {  	s29 =	simm.s32 $0x9;
	_ =	strace $0x8000004B  }
0xb4: {  	_ =	swait.ge [sflag:s29], $0x1  }
0xb5: {  	[sflag:s29] =	ssyncadd.s32 $0xFFFFFFFF  }
0xb6: {  	_ =	strace $0x9000004B  }
0xb7: {  	_ =	sfence  }
0xb8: {  	s30 =	sld [smem:$0x0];
	_ =	sdelay $0x2  }
0xb9: {  	s31 =	sshll.u32 s1, $0xD;
	s1 =	sshrl.u32 s1, $0x2  }
0xba: {  	s3 =	sand.u32 $0x4000, s31;
	s1 =	sadd.s32 s1, s30  }
0xbb: {  	s0 =	sor.u32 s3, s0;
	s1 =	sshll.u32 s1, $0x11  }
0xbc: {  	s0 =	sor.u32 s1, s0  }
0xbd: {  	s0 =	sadd.s32 $0x8F2B, s0  }
0xbe: {  	[sflag:s0] =	ssyncadd.remote.s32 $0x1  }
0xbf: {  	_ =	sfence.sel $0xFFFF  }
0xc0: {  	[dreg:$0x0] =	wrdreg $0xFFFFFFFF;
	(pc) =	sbr.abs _section_cstart, $3  }
0xc1: {  	[dreg:$0x1] =	wrdreg $0xFFFFFFFF  }
0xc2: {  	_ =	task.clear_ibuf [dreg:s7], $0x2FFFF;
	_ =	strace $0x9FFFFFFF  }
0xc3: {  	(tm) =	ssettm $0x7FFFFFFF  }
tec
execute0_lowered:
.L_overlay_start_1:
0x0: {  	(tag) =	ssettag $0x1  }
0x1: {  	s2 =	rddreg [dreg:$0x0]  }
0x2: {  	s0 =	srdreg.scid;
	s5 =	rddreg [dreg:$0x1]  }
0x3: {  	s11 =	stileid.u32;
	s3 =	rddreg [dreg:$0x2];
	s4 =	simm.s32 $0x0  }
0x4: {  	s28 =	simm.s32 $0x2800;
	s29 =	simm.s32 $0x1;
	s7 =	smul.u32 $0x14000, s11  }
0x5: {  	s30 =	simm.s32 $0x5;
	s31 =	simm.s32 $0x4;
	s10 =	smul.u32 $0x50000, s11  }
0x6: {  	s0 =	sand.u32 $0x1, s0;
	[smem:$0x7FF] =	sst s4;
	s24 =	smul.u32 $0x2710, s11  }
0x7: {  	s1 =	sshll.u32 s0, $0x4;
	s6 =	smul.u32 $0x140000, s0;
	_ =	strace $0x8000004A  }
0x8: {  	s9 =	ssub.s32 $0x2, s0;
	s0 =	smul.u32 $0x27100, s0;
	s1 =	sor.u32 s11, s1  }
0x9: {  	s19 =	sshrl.u32 s9, $0x1;
	s22 =	sshrl.u32 s10, $0x2;
	s1 =	smul.u32 $0x2710, s1  }
0xa: {  	s6 =	sadd.s32 s7, s6;
	s7 =	sadd.s32 $0x1C00, s5;
	s9 =	ssub.s32 s9, s19  }
0xb: {  	s0 =	sadd.s32 s24, s0;
	s24 =	simm.s32 $0x50;
	s23 =	smax.u32 s9, $0x1  }
0xc: {  	s6 =	sshrl.u32 s6, $0x3;
	s1 =	sshrl.u32 s1, $0x3;
	[dreg:$0x6] =	wrdreg s23  }
0xd: {  	s23 =	simm.s32 $0x3;
	s8 =	sadd.s32 s1, s5;
	s5 =	sadd.s32 s6, s5  }
0xe: {  	s6 =	sadd.s32 s7, s1;
	s1 =	sadd.s32 $0x140, s0;
	s0 =	sadd.s32 $0xF0, s0  }
0xf: {  	s20 =	sadd.s32 $0xBA00, s8;
	s21 =	sadd.s32 $0x15800, s5;
	s8 =	sadd.s32 s22, s3  }
0x10: {  	s17 =	sadd.s32 $0xA, s6;
	s1 =	sshrl.u32 s1, $0x3;
	s18 =	sadd.s32 $0x14, s6  }
0x11: {  	s0 =	sshrl.u32 s0, $0x3;
	s22 =	simm.s32 $0x2880;
	[dreg:$0x4] =	wrdreg s20  }
0x12: {  	s5 =	simm.s32 $0x0;
	[dreg:$0x5] =	wrdreg s21;
	s25 =	sadd.s32 $0x2800, s8  }
0x13: {  	s26 =	sadd.s32 $0x5000, s8;
	s12 =	sadd.s32 $0x7800, s8;
	s13 =	sadd.s32 $0xA000, s8  }
0x14: {  	s14 =	sadd.s32 $0xC800, s8;
	s15 =	sadd.s32 $0xF000, s8;
	s16 =	sadd.s32 $0x11800, s8  }
0x15: {  	s19 =	sadd.s32 s1, s7;
	s20 =	sadd.s32 s0, s7;
	s21 =	simm.s32 $0x7  }
0x16: {  	s1 =	simm.s32 $0x2;
	s0 =	simm.s32 $0x6;
	[dreg:$0x7] =	wrdreg s25  }
0x17: {  	v0 =	vimm.f32 $0.0e+00;
	[dreg:$0x8] =	wrdreg s26;
	s25 =	simm.s32 $0x2780;
	s26 =	simm.s32 $0x5080  }
.LBB2_1:
0x18: {  	s7 =	rddreg [dreg:$0x4]  }
0x19: {  	[tilespmem:s4], [sflag:$0x7] =	stream.linear.gather [hbm4b:s7+s4], $0x2710, $0x38;
	[tilespmem:$0x1B880] =	vst v63  }
0x1a: {  	s11 =	sand.u32 $0xFE00, s4;
	s9 =	sand.u32 $0x70, s4;
	_ =	swait.ge [sflag:s21], $0x2710  }
0x1b: {  	s10 =	sshrl.u32 s11, $0x2;
	s7 =	simm.s32 $0x40;
	[sflag:s21] =	ssyncset.done $0x0  }
0x1c: {  	s10 =	sor.u32 s9, s10;
	s9 =	simm.s32 $0x0;
	[sflag:s21] =	ssyncadd.s32 $0xFFFFD8F0  }
.LBB2_2:
0x1d: {  	p0 =	sne.s32 s7, $0x9FC0  }
0x1e: {  	[tilespmem:s10+$0x2880] =	vst v0;
	s9 =	sadd.s32 $0x10, s9;
	s10 =	smov.u32 s7;
	s7 =	sadd.s32 $0x40, s7  }
.Ltmp0:
0x1f: {  	(pc) =	sbr.rel @p0 .LBB2_2-.Ltmp0, $4  }
0x20: {  	_ = 	snop  }
0x21: {  	s10 =	sand.u32 $0xFE00, s10  }
0x22: {  	s11 =	sand.u32 $0x70, s9;
	s10 =	sshrl.u32 s10, $0x2  }
0x23: {  	s10 =	sor.u32 s11, s10  }
0x24: {  	[tilespmem:s10+$0x2880] =	vst v0  }
0x25: {  	[spmem:s8] =	stream.linear.scatter [tilespmem:s22], [sflag:$0x3], $0x2800, $0x38;
	[tilespmem:$0x1B880] =	vst v63  }
0x26: {  	s7 =	rddreg [dreg:$0x7]  }
0x27: {  	[spmem:s7] =	stream.linear.scatter [tilespmem:s22], [sflag:$0x3], $0x2800, $0x38;
	[tilespmem:$0x1B880] =	vst v63  }
0x28: {  	s9 =	rddreg [dreg:$0x8]  }
0x29: {  	[spmem:s9] =	stream.linear.scatter [tilespmem:s22], [sflag:$0x3], $0x2800, $0x38;
	[tilespmem:$0x1B880] =	vst v63  }
0x2a: {  	_ = 	snop  }
0x2b: {  	[spmem:s12] =	stream.linear.scatter [tilespmem:s22], [sflag:$0x3], $0x2800, $0x38;
	[tilespmem:$0x1B880] =	vst v63  }
0x2c: {  	_ = 	snop  }
0x2d: {  	[spmem:s13] =	stream.linear.scatter [tilespmem:s22], [sflag:$0x3], $0x2800, $0x38;
	[tilespmem:$0x1B880] =	vst v63  }
0x2e: {  	_ = 	snop  }
0x2f: {  	[spmem:s14] =	stream.linear.scatter [tilespmem:s22], [sflag:$0x3], $0x2800, $0x38;
	[tilespmem:$0x1B880] =	vst v63  }
0x30: {  	_ = 	snop  }
0x31: {  	[spmem:s15] =	stream.linear.scatter [tilespmem:s22], [sflag:$0x3], $0x2800, $0x38;
	[tilespmem:$0x1B880] =	vst v63  }
0x32: {  	_ = 	snop  }
0x33: {  	[spmem:s16] =	stream.linear.scatter [tilespmem:s22], [sflag:$0x3], $0x2800, $0x38;
	[tilespmem:$0x1B880] =	vst v63  }
0x34: {  	_ =	swait.ge [sflag:s23], $0x2800  }
0x35: {  	[sflag:s23] =	ssyncset.done $0x0  }
0x36: {  	[sflag:s23] =	ssyncadd.s32 $0xFFFFD800  }
0x37: {  	_ =	swait.ge [sflag:s23], $0x2800  }
0x38: {  	[sflag:s23] =	ssyncset.done $0x0  }
0x39: {  	[sflag:s23] =	ssyncadd.s32 $0xFFFFD800  }
0x3a: {  	_ =	swait.ge [sflag:s23], $0x2800  }
0x3b: {  	[sflag:s23] =	ssyncset.done $0x0  }
0x3c: {  	[sflag:s23] =	ssyncadd.s32 $0xFFFFD800  }
0x3d: {  	_ =	swait.ge [sflag:s23], $0x2800  }
0x3e: {  	[sflag:s23] =	ssyncset.done $0x0  }
0x3f: {  	[sflag:s23] =	ssyncadd.s32 $0xFFFFD800  }
0x40: {  	_ =	swait.ge [sflag:s23], $0x2800  }
0x41: {  	[sflag:s23] =	ssyncset.done $0x0  }
0x42: {  	[sflag:s23] =	ssyncadd.s32 $0xFFFFD800  }
0x43: {  	_ =	swait.ge [sflag:s23], $0x2800  }
0x44: {  	[sflag:s23] =	ssyncset.done $0x0  }
0x45: {  	[sflag:s23] =	ssyncadd.s32 $0xFFFFD800  }
0x46: {  	_ =	swait.ge [sflag:s23], $0x2800  }
0x47: {  	[sflag:s23] =	ssyncset.done $0x0  }
0x48: {  	[sflag:s23] =	ssyncadd.s32 $0xFFFFD800  }
0x49: {  	_ =	swait.ge [sflag:s23], $0x2800  }
0x4a: {  	[sflag:s23] =	ssyncset.done $0x0  }
0x4b: {  	[sflag:s23] =	ssyncadd.s32 $0xFFFFD800  }
0x4c: {  	s10 =	simm.s32 $0x0;
	[bflag:$0x0] =	sbarrier.arrive $0xFFFF  }
0x4d: {  	[tilespmem:s22], [sflag:$0x1] =	stream.indirect.gather [hbm4b:s2+s24], $0x80, s10, s24, $0xb8;
	[tilespmem:$0x1B880] =	vst v63  }
0x4e: {  	_ = 	snop  }
0x4f: {  	[tilespmem:s25], [sflag:$0x5] =	stream.linear.gather [hbm4b:s6+s10], $0x50, $0x38;
	[tilespmem:$0x1B880] =	vst v63  }
0x50: {  	_ = 	snop  }
0x51: {  	[tilespmem:s26], [sflag:$0x2] =	stream.indirect.gather [hbm4b:s2+s24], $0x80, s24, s24, $0xb8;
	[tilespmem:$0x1B880] =	vst v63  }
0x52: {  	_ = 	snop  }
0x53: {  	[tilespmem:s28], [sflag:$0x6] =	stream.linear.gather [hbm4b:s17+s10], $0x50, $0x38;
	[tilespmem:$0x1B880] =	vst v63  }
0x54: {  	_ =	swait.ge [sflag:s29], $0x2800  }
0x55: {  	[sflag:s29] =	ssyncset.done $0x0  }
0x56: {  	[sflag:s29] =	ssyncadd.s32 $0xFFFFD800  }
0x57: {  	_ =	swait.ge [sflag:s30], $0x50  }
0x58: {  	[sflag:s30] =	ssyncset.done $0x0  }
0x59: {  	[sflag:s30] =	ssyncadd.s32 $0xFFFFFFB0  }
0x5a: {  	[spmem:s3] =	stream.indirect.scatter.add.f32 [tilespmem:s22], [sflag:$0x3], $0x80, s25, s24, $0xb8;
	[tilespmem:$0x1B880] =	vst v63  }
0x5b: {  	_ =	swait.ge [sflag:s23], $0x2800  }
0x5c: {  	[sflag:s23] =	ssyncset.done $0x0  }
0x5d: {  	s9 =	simm.s32 $0xA0;
	[sflag:s23] =	ssyncadd.s32 $0xFFFFD800  }
0x5e: {  	[tilespmem:s22], [sflag:$0x1] =	stream.indirect.gather [hbm4b:s2+s24], $0x80, s9, s24, $0xb8;
	[tilespmem:$0x1B880] =	vst v63  }
0x5f: {  	_ = 	snop  }
0x60: {  	[tilespmem:s25], [sflag:$0x5] =	stream.linear.gather [hbm4b:s18+s10], $0x50, $0x38;
	[tilespmem:$0x1B880] =	vst v63  }
0x61: {  	_ =	swait.ge [sflag:s1], $0x2800  }
0x62: {  	[sflag:s1] =	ssyncset.done $0x0  }
0x63: {  	[sflag:s1] =	ssyncadd.s32 $0xFFFFD800  }
0x64: {  	_ =	swait.ge [sflag:s0], $0x50  }
0x65: {  	[sflag:s0] =	ssyncset.done $0x0  }
0x66: {  	[sflag:s0] =	ssyncadd.s32 $0xFFFFFFB0  }
0x67: {  	[spmem:s3] =	stream.indirect.scatter.add.f32 [tilespmem:s26], [sflag:$0x4], $0x80, s28, s24, $0xb8;
	[tilespmem:$0x1B880] =	vst v63  }
0x68: {  	_ =	swait.ge [sflag:s31], $0x2800  }
0x69: {  	[sflag:s31] =	ssyncset.done $0x0  }
0x6a: {  	s11 =	simm.s32 $0xF0;
	[sflag:s31] =	ssyncadd.s32 $0xFFFFD800  }
0x6b: {  	[tilespmem:s26], [sflag:$0x2] =	stream.indirect.gather [hbm4b:s2+s24], $0x80, s11, s24, $0xb8;
	[tilespmem:$0x1B880] =	vst v63  }
0x6c: {  	s9 =	sadd.s32 $0x0, s20  }
0x6d: {  	[tilespmem:s28], [sflag:$0x6] =	stream.linear.gather [hbm4b:s9+s4], $0x50, $0x38;
	[tilespmem:$0x1B880] =	vst v63  }
0x6e: {  	_ =	swait.ge [sflag:s29], $0x2800  }
0x6f: {  	[sflag:s29] =	ssyncset.done $0x0  }
0x70: {  	[sflag:s29] =	ssyncadd.s32 $0xFFFFD800  }
0x71: {  	_ =	swait.ge [sflag:s30], $0x50  }
0x72: {  	[sflag:s30] =	ssyncset.done $0x0  }
0x73: {  	[sflag:s30] =	ssyncadd.s32 $0xFFFFFFB0  }
0x74: {  	[spmem:s3] =	stream.indirect.scatter.add.f32 [tilespmem:s22], [sflag:$0x3], $0x80, s25, s24, $0xb8;
	[tilespmem:$0x1B880] =	vst v63  }
0x75: {  	_ =	swait.ge [sflag:s23], $0x2800  }
0x76: {  	[sflag:s23] =	ssyncset.done $0x0  }
0x77: {  	s10 =	simm.s32 $0x140;
	[sflag:s23] =	ssyncadd.s32 $0xFFFFD800  }
0x78: {  	[tilespmem:s22], [sflag:$0x1] =	stream.indirect.gather [hbm4b:s2+s24], $0x80, s10, s24, $0xb8;
	[tilespmem:$0x1B880] =	vst v63  }
0x79: {  	s11 =	sadd.s32 $0x0, s19  }
0x7a: {  	[tilespmem:s25], [sflag:$0x5] =	stream.linear.gather [hbm4b:s11+s4], $0x50, $0x38;
	[tilespmem:$0x1B880] =	vst v63  }
0x7b: {  	_ =	swait.ge [sflag:s1], $0x2800  }
0x7c: {  	[sflag:s1] =	ssyncset.done $0x0  }
0x7d: {  	[sflag:s1] =	ssyncadd.s32 $0xFFFFD800  }
0x7e: {  	_ =	swait.ge [sflag:s0], $0x50  }
0x7f: {  	[sflag:s0] =	ssyncset.done $0x0  }
0x80: {  	s7 =	simm.s32 $0x14;
	s9 =	simm.s32 $0x1E0;
	[sflag:s0] =	ssyncadd.s32 $0xFFFFFFB0  }
.LBB2_4:
0x81: {  	[spmem:s3] =	stream.indirect.scatter.add.f32 [tilespmem:s26], [sflag:$0x4], $0x80, s28, s24, $0xb8;
	[tilespmem:$0x1B880] =	vst v63  }
0x82: {  	s10 =	smov.u32 s7  }
0x83: {  	p0 =	sne.s32 s7, $0x4B0;
	s7 =	sadd.s32 $0x14, s7;
	_ =	swait.ge [sflag:s31], $0x2800  }
0x84: {  	[sflag:s31] =	ssyncset.done $0x0  }
0x85: {  	s11 =	sadd.s32 $0xFFFFFFB0, s9;
	[sflag:s31] =	ssyncadd.s32 $0xFFFFD800  }
0x86: {  	[tilespmem:s26], [sflag:$0x2] =	stream.indirect.gather [hbm4b:s2+s24], $0x80, s11, s24, $0xb8;
	[tilespmem:$0x1B880] =	vst v63  }
0x87: {  	s11 =	sadd.s32 s10, s20  }
0x88: {  	[tilespmem:s28], [sflag:$0x6] =	stream.linear.gather [hbm4b:s11+s4], $0x50, $0x38;
	[tilespmem:$0x1B880] =	vst v63  }
0x89: {  	_ =	swait.ge [sflag:s29], $0x2800  }
0x8a: {  	[sflag:s29] =	ssyncset.done $0x0  }
0x8b: {  	[sflag:s29] =	ssyncadd.s32 $0xFFFFD800  }
0x8c: {  	_ =	swait.ge [sflag:s30], $0x50  }
0x8d: {  	[sflag:s30] =	ssyncset.done $0x0  }
0x8e: {  	[sflag:s30] =	ssyncadd.s32 $0xFFFFFFB0  }
0x8f: {  	[spmem:s3] =	stream.indirect.scatter.add.f32 [tilespmem:s22], [sflag:$0x3], $0x80, s25, s24, $0xb8;
	[tilespmem:$0x1B880] =	vst v63  }
0x90: {  	_ =	swait.ge [sflag:s23], $0x2800  }
0x91: {  	[sflag:s23] =	ssyncset.done $0x0  }
0x92: {  	[sflag:s23] =	ssyncadd.s32 $0xFFFFD800  }
0x93: {  	[tilespmem:s22], [sflag:$0x1] =	stream.indirect.gather [hbm4b:s2+s24], $0x80, s9, s24, $0xb8;
	[tilespmem:$0x1B880] =	vst v63  }
0x94: {  	s10 =	sadd.s32 s10, s19  }
0x95: {  	[tilespmem:s25], [sflag:$0x5] =	stream.linear.gather [hbm4b:s10+s4], $0x50, $0x38;
	[tilespmem:$0x1B880] =	vst v63  }
0x96: {  	_ =	swait.ge [sflag:s1], $0x2800  }
.Ltmp1:
0x97: {  	[sflag:s1] =	ssyncset.done $0x0;
	(pc) =	sbr.rel @p0 .LBB2_4-.Ltmp1, $4  }
0x98: {  	[sflag:s1] =	ssyncadd.s32 $0xFFFFD800  }
0x99: {  	_ =	swait.ge [sflag:s0], $0x50  }
0x9a: {  	[sflag:s0] =	ssyncset.done $0x0  }
0x9b: {  	s9 =	sadd.s32 $0xA0, s9;
	[sflag:s0] =	ssyncadd.s32 $0xFFFFFFB0  }
0x9c: {  	[spmem:s3] =	stream.indirect.scatter.add.f32 [tilespmem:s26], [sflag:$0x4], $0x80, s28, s24, $0xb8;
	[tilespmem:$0x1B880] =	vst v63  }
0x9d: {  	_ =	swait.ge [sflag:s31], $0x2800  }
0x9e: {  	[sflag:s31] =	ssyncset.done $0x0  }
0x9f: {  	[sflag:s31] =	ssyncadd.s32 $0xFFFFD800  }
0xa0: {  	_ =	swait.ge [sflag:s29], $0x2800  }
0xa1: {  	[sflag:s29] =	ssyncset.done $0x0  }
0xa2: {  	[sflag:s29] =	ssyncadd.s32 $0xFFFFD800  }
0xa3: {  	_ =	swait.ge [sflag:s30], $0x50  }
0xa4: {  	[sflag:s30] =	ssyncset.done $0x0  }
0xa5: {  	[sflag:s30] =	ssyncadd.s32 $0xFFFFFFB0  }
0xa6: {  	[spmem:s3] =	stream.indirect.scatter.add.f32 [tilespmem:s22], [sflag:$0x7], $0x80, s25, s24, $0xb8;
	[tilespmem:$0x1B880] =	vst v63  }
0xa7: {  	_ =	swait.ge [sflag:s21], $0x2800  }
0xa8: {  	[sflag:s21] =	ssyncset.done $0x0  }
0xa9: {  	s7 =	stileid.u32;
	[sflag:s21] =	ssyncadd.s32 $0xFFFFD800  }
0xaa: {  	s7 =	sshll.u32 s7, $0x6;
	[bflag:$0x0] =	sbarrier.arrive $0xFFFF  }
0xab: {  	s9 =	sshrl.u32 s8, $0x3;
	s7 =	sor.u32 $0x1C07, s7;
	s10 =	rddreg [dreg:$0x5]  }
0xac: {  	[hbm:s10], [sflag:s7] =	dma.local [spmem:s9], $0x2800  }
0xad: {  	_ =	swait.ge [sflag:s21], $0x2800  }
0xae: {  	s5 =	sadd.s32 $0x1, s5;
	s11 =	rddreg [dreg:$0x6]  }
0xaf: {  	p0 =	sne.s32 s5, s11  }
.Ltmp2:
0xb0: {  	_ = 	snop;
	(pc) =	sbr.rel @p0 .LBB2_1-.Ltmp2, $3  }
0xb1: {  	_ =	sdelay $0x1  }
0xb2: {  	[sflag:s21] =	ssyncset.done $0x0  }
0xb3: {  	[sflag:s21] =	ssyncadd.s32 $0xFFFFD800  }
0xb4: {  	_ =	sfence.sel $0x180000  }
0xb5: {  	[bflag:$0x0] =	sbarrier.arrive $0xFFFF  }
0xb6: {  	_ =	strace $0x9000004A  }
0xb7: {  	s0 =	stileid.u32;
	[bflag:$0x2] =	sbarrier.arrive $0xFFFF  }
0xb8: {  	p0 =	sne.s32 s0, $0x0;
	s0 =	rddreg [dreg:$0x3]  }
0xb9: {  	s0 =	sadd.s32 @!p0 $0x100000, s0  }
0xba: {  	[sflag:s0] =	ssyncadd.tile.s32 @!p0 $0x1;
	_ =	shalt  }
.Lfunc_end2:
_tile_overlayer_lowered:
.L_overlay_start_2:
0xbb: {  	(tag) =	ssettag $0x2  }
0xbc: {  	s0 =	rddreg [dreg:$0x0];
	s2 =	stileid.u32  }
0xbd: {  	s1 =	rddreg [dreg:$0x1];
	p0 =	sne.s32 s2, $0x0  }
0xbe: {  	s3 =	rddreg [dreg:$0x2];
	[bflag:$0x3] =	sbarrier.arrive $0xFFFF;
	s2 =	simm.s32 @!p0 $0x1C07  }
0xbf: {  	[timem:s3], [sflag:s2] =	dma.local @!p0 [hbm:s0], s1  }
0xc0: {  	s0 =	simm.s32 @!p0 $0x7  }
0xc1: {  	_ =	swait.ge @!p0 [sflag:s0], s1  }
0xc2: {  	s1 =	ssub.s32 @!p0 $0x0, s1;
	[sflag:s0] =	ssyncset.done @!p0 $0x0  }
0xc3: {  	[sflag:s0] =	ssyncadd.s32 @!p0 s1  }
0xc4: {  	[bflag:$0x3] =	sbarrier.arrive $0xFFFF  }
0xc5: {  	_ =	shalt  }

// kernel: sage_sc_agg_deg.3.cloned.1.call-start
scs
__scs_entry_jumppad:
0x0: {  	(pc) =	sbr.rel $0x88, $3  }
0x1: {  	(tag) =	ssettag $0x0;
	lr =	simm.s32 $0x1  }
0x2: {  	[smem:$0x3F99] =	sst lr;
	_ =	strace $0xD0000000  }
0x3: {  	_ = 	snop  }
0x4: {  	_ = 	snop  }
0x5: {  	_ = 	snop  }
0x6: {  	_ = 	snop  }
0x7: {  	_ = 	snop  }
__scs_overlays_trampoline_lowered:
0x8: {  	[smem:$0x3FA8] =	sst s0  }
0x9: {  	[smem:$0x3FA9] =	sst s1  }
0xa: {  	[smem:$0x3FAA] =	sst s2  }
0xb: {  	[smem:$0x3FAB] =	sst s3  }
0xc: {  	[smem:$0x3FAC] =	sst s4  }
0xd: {  	[smem:$0x3FAD] =	sst s5  }
0xe: {  	[smem:$0x3FAE] =	sst s6  }
0xf: {  	[smem:$0x3FAF] =	sst s7  }
0x10: {  	[smem:$0x3FB0] =	sst s8  }
0x11: {  	[smem:$0x3FB1] =	sst s9;
	s0 =	simm.s32 @!p0 $0x0  }
0x12: {  	s1 =	sld [smem:$0x3F97];
	s0 =	simm.s32 @p0 $0x1  }
0x13: {  	[smem:$0x3FB2] =	sst s0;
	s0 =	simm.s32 @!p1 $0x0  }
0x14: {  	s2 =	sld [smem:$0x3F96];
	s0 =	simm.s32 @p1 $0x1  }
0x15: {  	[smem:$0x3FB3] =	sst s0;
	s0 =	simm.s32 @!p2 $0x0  }
0x16: {  	s3 =	sld [smem:$0x3FDB];
	s0 =	simm.s32 @p2 $0x1  }
0x17: {  	s4 =	simm.s32 $0x1BF5;
	[smem:$0x3FB5] =	sst s0  }
0x18: {  	s0 =	sld [smem:$0x3F98];
	_ =	swait.ge [sflag:s4], $0x0  }
0x19: {  	s7 =	sld [smem:$0x3F99]  }
0x1a: {  	s8 =	sadd.s32 $0xFFFFE003, lr  }
0x1b: {  	s9 =	sadd.s32 $0xFFFFFEF7, lr;
	s5 =	simm.s32 $0xFFFFFFFF;
	p2 =	slt.u32 s8, $0xFFFFF086  }
0x1c: {  	p1 =	slt.u32 s9, $0xF7A;
	s5 =	simm.s32 @!p2 $0x0  }
0x1d: {  	s5 =	simm.s32 @p1 $0x1;
	p0 =	seq.s32 s7, s2  }
0x1e: {  	s7 =	smul.u32 @!p0 $0xF7A, s2;
	p2 =	seq.s32 @!p0 s5, $0x0  }
0x1f: {  	s9 =	smul.u32 $0xF7A, s1;
	s8 =	simm.s32 @!p0 $0x1BF5;
	p2 =	por !p2, p0  }
0x20: {  	[sflag:s8] =	ssyncset.s32 @!p0 $0xFFFFF086;
	s6 =	sadd.s32 @!p0 s3, s7;
	s7 =	simm.s32 @!p0 $0x108  }
0x21: {  	s3 =	sadd.s32 s3, s9;
	s6 =	sadd.s32 @!p0 $0x88, s6;
	s7 =	simm.s32 @p2 $0x1082  }
0x22: {  	[simem:s7], [sflag:s8] =	dma.local @!p0 [hbm:s6], $0xF7A  }
0x23: {  	s9 =	sor.u32 $0xD0000000, s2;
	s6 =	simm.s32 $0x108;
	_ =	swait.ge @!p0 [sflag:s8], $0x0  }
0x24: {  	s3 =	sadd.s32 $0x88, s3;
	s6 =	simm.s32 @!p1 $0x1082;
	[sflag:s4] =	ssyncset.s32 $0xFFFFF086  }
0x25: {  	[simem:s6], [sflag:s4] =	dma.local [hbm:s3], $0xF7A  }
0x26: {  	[smem:$0x3F99] =	sst s1;
	(tag) =	ssettag s2;
	_ =	strace s9  }
0x27: {  	s1 =	sld [smem:$0x3FA9]  }
0x28: {  	s2 =	sld [smem:$0x3FAA]  }
0x29: {  	s4 =	sld [smem:$0x3FAC]  }
0x2a: {  	p0 =	seq.s32 s5, $0x0;
	s5 =	sld [smem:$0x3FAD]  }
0x2b: {  	s6 =	sld [smem:$0x3FAE]  }
0x2c: {  	s7 =	sld [smem:$0x3FAF]  }
0x2d: {  	s3 =	simm.s32 $0x108;
	s8 =	sld [smem:$0x3FB0]  }
0x2e: {  	s3 =	simm.s32 @!p0 $0x1082;
	s9 =	sld [smem:$0x3FB1]  }
0x2f: {  	lr =	sadd.s32 s0, s3;
	s0 =	sld [smem:$0x3FA8]  }
0x30: {  	s3 =	sld [smem:$0x3FAB]  }
0x31: {  	[smem:$0x3FB4] =	sst s10  }
0x32: {  	s10 =	sld [smem:$0x3FB2];
	_ =	sdelay $0x3  }
0x33: {  	p0 =	seq.s32 s10, $0x1;
	s10 =	sld [smem:$0x3FB4];
	_ =	sdelay $0x3  }
0x34: {  	[smem:$0x3FB4] =	sst s10  }
0x35: {  	s10 =	sld [smem:$0x3FB3];
	_ =	sdelay $0x3  }
0x36: {  	p1 =	seq.s32 s10, $0x1;
	s10 =	sld [smem:$0x3FB4];
	_ =	sdelay $0x3  }
0x37: {  	[smem:$0x3FB4] =	sst s10  }
0x38: {  	s10 =	sld [smem:$0x3FB5]  }
0x39: {  	_ = 	snop;
	(pc) =	sbr.ind lr, $3  }
0x3a: {  	_ = 	snop  }
0x3b: {  	_ = 	snop  }
0x3c: {  	p2 =	seq.s32 s10, $0x1;
	s10 =	sld [smem:$0x3FB4]  }
0x3d: {  	_ =	shalt  }
0x3e: {  	_ =	shalt  }
0x3f: {  	_ =	shalt  }
0x40: {  	_ =	shalt  }
0x41: {  	_ =	shalt  }
0x42: {  	_ =	shalt  }
0x43: {  	_ =	shalt  }
0x44: {  	_ =	shalt  }
0x45: {  	_ =	shalt  }
0x46: {  	_ =	shalt  }
0x47: {  	_ =	shalt  }
0x48: {  	_ =	shalt  }
0x49: {  	_ =	shalt  }
0x4a: {  	_ =	shalt  }
0x4b: {  	_ =	shalt  }
0x4c: {  	_ =	shalt  }
0x4d: {  	_ =	shalt  }
0x4e: {  	_ =	shalt  }
0x4f: {  	_ =	shalt  }
0x50: {  	_ =	shalt  }
0x51: {  	_ =	shalt  }
0x52: {  	_ =	shalt  }
0x53: {  	_ =	shalt  }
0x54: {  	_ =	shalt  }
0x55: {  	_ =	shalt  }
0x56: {  	_ =	shalt  }
0x57: {  	_ =	shalt  }
0x58: {  	_ =	shalt  }
0x59: {  	_ =	shalt  }
0x5a: {  	_ =	shalt  }
0x5b: {  	_ =	shalt  }
0x5c: {  	_ =	shalt  }
0x5d: {  	_ =	shalt  }
0x5e: {  	_ =	shalt  }
0x5f: {  	_ =	shalt  }
0x60: {  	_ =	shalt  }
0x61: {  	_ =	shalt  }
0x62: {  	_ =	shalt  }
0x63: {  	_ =	shalt  }
0x64: {  	_ =	shalt  }
0x65: {  	_ =	shalt  }
0x66: {  	_ =	shalt  }
0x67: {  	_ =	shalt  }
0x68: {  	_ =	shalt  }
0x69: {  	_ =	shalt  }
0x6a: {  	_ =	shalt  }
0x6b: {  	_ =	shalt  }
0x6c: {  	_ =	shalt  }
0x6d: {  	_ =	shalt  }
0x6e: {  	_ =	shalt  }
0x6f: {  	_ =	shalt  }
0x70: {  	_ =	shalt  }
0x71: {  	_ =	shalt  }
0x72: {  	_ =	shalt  }
0x73: {  	_ =	shalt  }
0x74: {  	_ =	shalt  }
0x75: {  	_ =	shalt  }
0x76: {  	_ =	shalt  }
0x77: {  	_ =	shalt  }
0x78: {  	_ =	shalt  }
0x79: {  	_ =	shalt  }
0x7a: {  	_ =	shalt  }
0x7b: {  	_ =	shalt  }
0x7c: {  	_ =	shalt  }
0x7d: {  	_ =	shalt  }
0x7e: {  	_ =	shalt  }
0x7f: {  	_ =	shalt  }
0x80: {  	_ =	shalt  }
0x81: {  	_ =	shalt  }
0x82: {  	_ =	shalt  }
0x83: {  	_ =	shalt  }
0x84: {  	_ =	shalt  }
0x85: {  	_ =	shalt  }
0x86: {  	_ =	shalt  }
0x87: {  	_ =	shalt  }
.Lfunc_end0:
.L_simem_size_0:
called_computation_lowered:
.L_overlay_start_0:
0x88: {  	s2 =	sld [smem:$0x3FD9]  }
0x89: {  	s3 =	sld [smem:$0x3FFE];
	_ =	sdelay $0x1  }
0x8a: {  	s1 =	srdreg.scid  }
0x8b: {  	s0 =	sand.u32 $0x1, s1  }
0x8c: {  	s17 =	sshll.u32 s0, $0xA;
	s2 =	sadd.s32 s3, s2  }
0x8d: {  	s2 =	sadd.s32 s2, s17  }
0x8e: {  	[smem:$0x3FC0] =	sst s2  }
0x8f: {  	_ = 	snop  }
0x90: {  	s2 =	sld [smem:$0x3FD0];
	(tm) =	ssettm $0x1  }
0x91: {  	s18 =	sld [smem:$0x3FFB];
	_ =	sdelay $0x3  }
0x92: {  	_ =	strace s18  }
0x93: {  	s3 =	sld [smem:$0x3FFC];
	_ =	sdelay $0x3  }
0x94: {  	_ =	strace s3  }
0x95: {  	s3 =	sld [smem:$0x3FFD];
	_ =	sdelay $0x3  }
0x96: {  	_ =	strace s3  }
0x97: {  	_ =	strace $0x8FFFFFFF  }
0x98: {  	s19 =	sld [smem:$0x3FDB];
	_ =	sdelay $0x1  }
0x99: {  	s4 =	simm.s32 $_scs_section_size  }
0x9a: {  	s5 =	simm.s32 $_size__tile_overlayer_lowered;
	s6 =	simm.s32 $_tile_overlayer_lowered  }
0x9b: {  	s22 =	simm.s32 $0x1BFF;
	s21 =	sshll.u32 s6, $0x1;
	s3 =	sadd.s32 s4, s19  }
0x9c: {  	s7 =	simm.s32 $0x0;
	s20 =	sshll.u32 s5, $0x1;
	s5 =	sadd.s32 s21, s3  }
0x9d: {  	[timem:s7], [sflag:s22] =	dma.local [hbm:s5], s20  }
0x9e: {  	_ =	swait.ge [sflag:s22], s20  }
0x9f: {  	s4 =	ssub.s32 $0x0, s20;
	[sflag:s22] =	ssyncset.done $0x0  }
0xa0: {  	[sflag:s22] =	ssyncadd.s32 s4;
	_ =	sdelay $0x1  }
0xa1: {  	s23 =	simm.s32 $0x1B8B  }
0xa2: {  	_ =	swait.ge [sflag:s23], $0x1  }
0xa3: {  	[sflag:s23] =	ssyncset.done $0x0  }
0xa4: {  	s25 =	simm.s32 $0x1B8E;
	s24 =	sld [smem:$0x3FFE];
	[sflag:s23] =	ssyncadd.s32 $0xFFFFFFFF  }
0xa5: {  	s26 =	simm.s32 $execute0_lowered;
	[smem:$0x3FD2] =	sst s25  }
0xa6: {  	s5 =	sshll.u32 s26, $0x1;
	_ =	strace $0x80000046;
	[dreg:$0x1] =	wrdreg $0xFFFFFFFF  }
0xa7: {  	s28 =	simm.s32 $_size_execute0_lowered;
	s3 =	sadd.s32 s3, s5;
	[dreg:$0x0] =	wrdreg $0x0  }
0xa8: {  	s5 =	sshll.u32 s28, $0x1;
	[dreg:$0x2] =	wrdreg s3  }
0xa9: {  	[dreg:$0x3] =	wrdreg s5  }
0xaa: {  	[dreg:$0x4] =	wrdreg $0xC0  }
0xab: {  	_ =	task [dreg:s7], $0x5FFFF  }
0xac: {  	[dreg:$0x1] =	wrdreg $0xFFFFFFFF  }
0xad: {  	[dreg:$0x0] =	wrdreg $0x60  }
0xae: {  	[dreg:$0x2] =	wrdreg s2  }
0xaf: {  	[dreg:$0x3] =	wrdreg s24  }
0xb0: {  	[dreg:$0x4] =	wrdreg $0x79000  }
0xb1: {  	[dreg:$0x5] =	wrdreg $0x1B9000  }
0xb2: {  	[dreg:$0x6] =	wrdreg $0x9  }
0xb3: {  	_ =	task.clear_ibuf [dreg:s7], $0x7FFFF;
	_ =	strace $0x90000046  }
0xb4: {  	s29 =	simm.s32 $0x9;
	_ =	strace $0x80000048  }
0xb5: {  	_ =	swait.ge [sflag:s29], $0x1  }
0xb6: {  	[sflag:s29] =	ssyncadd.s32 $0xFFFFFFFF  }
0xb7: {  	_ =	strace $0x90000048  }
0xb8: {  	_ =	sfence  }
0xb9: {  	s30 =	sld [smem:$0x0];
	_ =	sdelay $0x2  }
0xba: {  	s31 =	sshll.u32 s1, $0xD;
	s1 =	sshrl.u32 s1, $0x2  }
0xbb: {  	s3 =	sand.u32 $0x4000, s31;
	s1 =	sadd.s32 s1, s30  }
0xbc: {  	s0 =	sor.u32 s3, s0;
	s1 =	sshll.u32 s1, $0x11  }
0xbd: {  	s0 =	sor.u32 s1, s0  }
0xbe: {  	s0 =	sadd.s32 $0x8F2B, s0  }
0xbf: {  	[sflag:s0] =	ssyncadd.remote.s32 $0x1  }
0xc0: {  	_ =	sfence.sel $0xFFFF  }
0xc1: {  	[dreg:$0x0] =	wrdreg $0xFFFFFFFF;
	(pc) =	sbr.abs _section_cstart, $3  }
0xc2: {  	[dreg:$0x1] =	wrdreg $0xFFFFFFFF  }
0xc3: {  	_ =	task.clear_ibuf [dreg:s7], $0x2FFFF;
	_ =	strace $0x9FFFFFFF  }
0xc4: {  	(tm) =	ssettm $0x7FFFFFFF  }
0xc5: {  	_ =	shalt  }
tec
execute0_lowered:
.L_overlay_start_1:
0x0: {  	(tag) =	ssettag $0x1  }
0x1: {  	s0 =	srdreg.scid;
	s1 =	rddreg [dreg:$0x0]  }
0x2: {  	s15 =	stileid.u32;
	s6 =	rddreg [dreg:$0x1]  }
0x3: {  	s3 =	rddreg [dreg:$0x2];
	s8 =	smul.u32 $0x14000, s15  }
0x4: {  	s4 =	rddreg [dreg:$0x3];
	s9 =	smul.u32 $0x280, s15  }
0x5: {  	s5 =	simm.s32 $0x0;
	s0 =	sand.u32 $0x1, s0;
	s13 =	smul.u32 $0x50000, s15  }
0x6: {  	s29 =	simm.s32 $0x9;
	s30 =	simm.s32 $0x2880;
	s7 =	smul.u32 $0x140000, s0  }
0x7: {  	s31 =	simm.s32 $0x3;
	[smem:$0x7FF] =	sst s5;
	s10 =	smul.u32 $0x2800, s0  }
0x8: {  	s2 =	sshll.u32 s0, $0x4;
	s24 =	ssub.s32 $0x2, s0;
	s0 =	smul.u32 $0x27100, s0  }
0x9: {  	_ =	strace $0x80000047;
	s2 =	sor.u32 s15, s2;
	s15 =	smul.u32 $0x2710, s15  }
0xa: {  	s25 =	sshrl.u32 s24, $0x1;
	s2 =	smul.u32 $0x2710, s2;
	s7 =	sadd.s32 s8, s7  }
0xb: {  	s8 =	sadd.s32 $0x1C00, s6;
	s10 =	sadd.s32 s9, s10;
	s14 =	ssub.s32 s24, s25  }
0xc: {  	s7 =	sshrl.u32 s7, $0x3;
	s23 =	sshrl.u32 s10, $0x3;
	s0 =	sadd.s32 s15, s0  }
0xd: {  	s15 =	simm.s32 $0x7;
	s2 =	sshrl.u32 s2, $0x3;
	s12 =	sadd.s32 s7, s6  }
0xe: {  	s7 =	sadd.s32 s9, s4;
	s11 =	sadd.s32 s2, s6;
	s6 =	sadd.s32 s23, s6  }
0xf: {  	s9 =	sadd.s32 s8, s2;
	s10 =	sadd.s32 $0x16200, s12;
	s22 =	sadd.s32 $0x80, s7  }
0x10: {  	s23 =	sadd.s32 $0x140, s0;
	s24 =	sadd.s32 $0x100, s7;
	[dreg:$0x6] =	wrdreg s10  }
0x11: {  	s0 =	sadd.s32 $0xF0, s0;
	s25 =	sadd.s32 $0x180, s7;
	[dreg:$0x10] =	wrdreg s22  }
0x12: {  	s26 =	sadd.s32 $0xBA00, s11;
	s11 =	sshrl.u32 s13, $0x2;
	[dreg:$0x11] =	wrdreg s24  }
0x13: {  	s12 =	sadd.s32 $0x15800, s6;
	s13 =	smax.u32 s14, $0x1;
	[dreg:$0x12] =	wrdreg s25  }
0x14: {  	s2 =	sshrl.u32 s23, $0x3;
	s0 =	sshrl.u32 s0, $0x3;
	[dreg:$0x5] =	wrdreg s26  }
0x15: {  	s25 =	smov.u32 s9;
	s28 =	sadd.s32 $0x14, s9;
	[dreg:$0x7] =	wrdreg s12  }
0x16: {  	s6 =	simm.s32 $0x2780;
	s10 =	sadd.s32 s11, s3;
	[dreg:$0x8] =	wrdreg s13  }
0x17: {  	s23 =	sadd.s32 s2, s8;
	s24 =	sadd.s32 s0, s8;
	s26 =	sadd.s32 $0x200, s7  }
0x18: {  	s2 =	simm.s32 $0x4;
	s14 =	sadd.s32 $0x2800, s10;
	[dreg:$0x13] =	wrdreg s26  }
0x19: {  	s0 =	simm.s32 $0x50;
	s16 =	sadd.s32 $0x5000, s10;
	[dreg:$0x9] =	wrdreg s14  }
0x1a: {  	s11 =	simm.s32 $0x2800;
	s17 =	sadd.s32 $0x7800, s10;
	[dreg:$0xa] =	wrdreg s16  }
0x1b: {  	s12 =	simm.s32 $0x1;
	s18 =	sadd.s32 $0xA000, s10;
	[dreg:$0xb] =	wrdreg s17  }
0x1c: {  	s13 =	simm.s32 $0x5;
	s19 =	sadd.s32 $0xC800, s10;
	[dreg:$0xc] =	wrdreg s18  }
0x1d: {  	s20 =	sadd.s32 $0xF000, s10;
	s21 =	sadd.s32 $0x11800, s10;
	[dreg:$0xd] =	wrdreg s19  }
0x1e: {  	s26 =	sadd.s32 $0xA, s9;
	s9 =	simm.s32 $0x5080;
	[dreg:$0xe] =	wrdreg s20  }
0x1f: {  	[dreg:$0xf] =	wrdreg s21;
	s14 =	simm.s32 $0x7880;
	s16 =	simm.s32 $0x2  }
0x20: {  	v0 =	vimm.f32 $0.0e+00;
	v1 =	vimm.f32 $1.000000000e+00;
	s17 =	simm.s32 $0x6;
	s18 =	simm.s32 $0x8;
	s19 =	simm.s32 $0x0  }
.LBB2_1:
0x21: {  	s8 =	rddreg [dreg:$0x5]  }
0x22: {  	[tilespmem:s5], [sflag:$0x9] =	stream.linear.gather [hbm4b:s8+s5], $0x2710, $0x38;
	[tilespmem:$0x1BB80] =	vst v63  }
0x23: {  	s22 =	sand.u32 $0xFE00, s5;
	s21 =	sand.u32 $0x70, s5;
	_ =	swait.ge [sflag:s29], $0x2710  }
0x24: {  	s20 =	simm.s32 $0x40;
	s8 =	sshrl.u32 s22, $0x2;
	[sflag:s29] =	ssyncset.done $0x0  }
0x25: {  	s8 =	sor.u32 s21, s8;
	s21 =	simm.s32 $0x0;
	[sflag:s29] =	ssyncadd.s32 $0xFFFFD8F0  }
.LBB2_2:
0x26: {  	p0 =	sne.s32 s20, $0x9FC0  }
0x27: {  	[tilespmem:s8+$0x2880] =	vst v0;
	s21 =	sadd.s32 $0x10, s21;
	s8 =	smov.u32 s20;
	s20 =	sadd.s32 $0x40, s20  }
.Ltmp0:
0x28: {  	(pc) =	sbr.rel @p0 .LBB2_2-.Ltmp0, $4  }
0x29: {  	_ = 	snop  }
0x2a: {  	s8 =	sand.u32 $0xFE00, s8  }
0x2b: {  	s22 =	sand.u32 $0x70, s21;
	s8 =	sshrl.u32 s8, $0x2  }
0x2c: {  	s8 =	sor.u32 s22, s8  }
0x2d: {  	[tilespmem:s8+$0x2880] =	vst v0  }
0x2e: {  	[spmem:s10] =	stream.linear.scatter [tilespmem:s30], [sflag:$0x3], $0x2800, $0x38;
	[tilespmem:$0x1BB80] =	vst v63  }
0x2f: {  	s22 =	rddreg [dreg:$0x9]  }
0x30: {  	[spmem:s22] =	stream.linear.scatter [tilespmem:s30], [sflag:$0x3], $0x2800, $0x38;
	[tilespmem:$0x1BB80] =	vst v63  }
0x31: {  	s20 =	rddreg [dreg:$0xa]  }
0x32: {  	[spmem:s20] =	stream.linear.scatter [tilespmem:s30], [sflag:$0x3], $0x2800, $0x38;
	[tilespmem:$0x1BB80] =	vst v63  }
0x33: {  	s21 =	rddreg [dreg:$0xb]  }
0x34: {  	[spmem:s21] =	stream.linear.scatter [tilespmem:s30], [sflag:$0x3], $0x2800, $0x38;
	[tilespmem:$0x1BB80] =	vst v63  }
0x35: {  	s22 =	rddreg [dreg:$0xc]  }
0x36: {  	[spmem:s22] =	stream.linear.scatter [tilespmem:s30], [sflag:$0x3], $0x2800, $0x38;
	[tilespmem:$0x1BB80] =	vst v63  }
0x37: {  	s20 =	rddreg [dreg:$0xd]  }
0x38: {  	[spmem:s20] =	stream.linear.scatter [tilespmem:s30], [sflag:$0x3], $0x2800, $0x38;
	[tilespmem:$0x1BB80] =	vst v63  }
0x39: {  	s21 =	rddreg [dreg:$0xe]  }
0x3a: {  	[spmem:s21] =	stream.linear.scatter [tilespmem:s30], [sflag:$0x3], $0x2800, $0x38;
	[tilespmem:$0x1BB80] =	vst v63  }
0x3b: {  	s22 =	rddreg [dreg:$0xf]  }
0x3c: {  	[spmem:s22] =	stream.linear.scatter [tilespmem:s30], [sflag:$0x3], $0x2800, $0x38;
	[tilespmem:$0x1BB80] =	vst v63  }
0x3d: {  	_ =	swait.ge [sflag:s31], $0x2800  }
0x3e: {  	[sflag:s31] =	ssyncset.done $0x0  }
0x3f: {  	[sflag:s31] =	ssyncadd.s32 $0xFFFFD800  }
0x40: {  	_ =	swait.ge [sflag:s31], $0x2800  }
0x41: {  	[sflag:s31] =	ssyncset.done $0x0  }
0x42: {  	[sflag:s31] =	ssyncadd.s32 $0xFFFFD800  }
0x43: {  	_ =	swait.ge [sflag:s31], $0x2800  }
0x44: {  	[sflag:s31] =	ssyncset.done $0x0  }
0x45: {  	[sflag:s31] =	ssyncadd.s32 $0xFFFFD800  }
0x46: {  	_ =	swait.ge [sflag:s31], $0x2800  }
0x47: {  	[sflag:s31] =	ssyncset.done $0x0  }
0x48: {  	[sflag:s31] =	ssyncadd.s32 $0xFFFFD800  }
0x49: {  	_ =	swait.ge [sflag:s31], $0x2800  }
0x4a: {  	[sflag:s31] =	ssyncset.done $0x0  }
0x4b: {  	[sflag:s31] =	ssyncadd.s32 $0xFFFFD800  }
0x4c: {  	_ =	swait.ge [sflag:s31], $0x2800  }
0x4d: {  	[sflag:s31] =	ssyncset.done $0x0  }
0x4e: {  	[sflag:s31] =	ssyncadd.s32 $0xFFFFD800  }
0x4f: {  	_ =	swait.ge [sflag:s31], $0x2800  }
0x50: {  	[sflag:s31] =	ssyncset.done $0x0  }
0x51: {  	[sflag:s31] =	ssyncadd.s32 $0xFFFFD800  }
0x52: {  	_ =	swait.ge [sflag:s31], $0x2800  }
0x53: {  	[sflag:s31] =	ssyncset.done $0x0  }
0x54: {  	[sflag:s31] =	ssyncadd.s32 $0xFFFFD800  }
0x55: {  	[tilespmem:$0x7880] =	vst v1  }
0x56: {  	[tilespmem:$0x7890] =	vst v1  }
0x57: {  	[tilespmem:$0x78A0] =	vst v1  }
0x58: {  	[tilespmem:$0x78B0] =	vst v1  }
0x59: {  	[tilespmem:$0x78C0] =	vst v1  }
0x5a: {  	[spmem:s7] =	stream.linear.scatter [tilespmem:s30], [sflag:$0x4], $0x80, $0x38;
	[tilespmem:$0x1BB80] =	vst v63  }
0x5b: {  	s20 =	rddreg [dreg:$0x10]  }
0x5c: {  	[spmem:s20] =	stream.linear.scatter [tilespmem:s30], [sflag:$0x4], $0x80, $0x38;
	[tilespmem:$0x1BB80] =	vst v63  }
0x5d: {  	s21 =	rddreg [dreg:$0x11]  }
0x5e: {  	[spmem:s21] =	stream.linear.scatter [tilespmem:s30], [sflag:$0x4], $0x80, $0x38;
	[tilespmem:$0x1BB80] =	vst v63  }
0x5f: {  	s22 =	rddreg [dreg:$0x12]  }
0x60: {  	[spmem:s22] =	stream.linear.scatter [tilespmem:s30], [sflag:$0x4], $0x80, $0x38;
	[tilespmem:$0x1BB80] =	vst v63  }
0x61: {  	s20 =	rddreg [dreg:$0x13]  }
0x62: {  	[spmem:s20] =	stream.linear.scatter [tilespmem:s30], [sflag:$0x4], $0x80, $0x38;
	[tilespmem:$0x1BB80] =	vst v63  }
0x63: {  	_ =	swait.ge [sflag:s2], $0x80  }
0x64: {  	[sflag:s2] =	ssyncset.done $0x0  }
0x65: {  	[sflag:s2] =	ssyncadd.s32 $0xFFFFFF80  }
0x66: {  	_ =	swait.ge [sflag:s2], $0x80  }
0x67: {  	[sflag:s2] =	ssyncset.done $0x0  }
0x68: {  	[sflag:s2] =	ssyncadd.s32 $0xFFFFFF80  }
0x69: {  	_ =	swait.ge [sflag:s2], $0x80  }
0x6a: {  	[sflag:s2] =	ssyncset.done $0x0  }
0x6b: {  	[sflag:s2] =	ssyncadd.s32 $0xFFFFFF80  }
0x6c: {  	_ =	swait.ge [sflag:s2], $0x80  }
0x6d: {  	[sflag:s2] =	ssyncset.done $0x0  }
0x6e: {  	[sflag:s2] =	ssyncadd.s32 $0xFFFFFF80  }
0x6f: {  	_ =	swait.ge [sflag:s2], $0x80  }
0x70: {  	[sflag:s2] =	ssyncset.done $0x0  }
0x71: {  	[sflag:s2] =	ssyncadd.s32 $0xFFFFFF80  }
0x72: {  	s21 =	simm.s32 $0x0;
	[bflag:$0x0] =	sbarrier.arrive $0xFFFF  }
0x73: {  	[tilespmem:s30], [sflag:$0x1] =	stream.indirect.gather [hbm4b:s1+s0], $0x80, s21, s0, $0xb8;
	[tilespmem:$0x1BB80] =	vst v63  }
0x74: {  	_ = 	snop  }
0x75: {  	[tilespmem:s6], [sflag:$0x5] =	stream.linear.gather [hbm4b:s25+s21], $0x50, $0x38;
	[tilespmem:$0x1BB80] =	vst v63  }
0x76: {  	_ = 	snop  }
0x77: {  	[tilespmem:s9], [sflag:$0x2] =	stream.indirect.gather [hbm4b:s1+s0], $0x80, s0, s0, $0xb8;
	[tilespmem:$0x1BB80] =	vst v63  }
0x78: {  	_ = 	snop  }
0x79: {  	[tilespmem:s11], [sflag:$0x6] =	stream.linear.gather [hbm4b:s26+s21], $0x50, $0x38;
	[tilespmem:$0x1BB80] =	vst v63  }
0x7a: {  	_ =	swait.ge [sflag:s12], $0x2800  }
0x7b: {  	[sflag:s12] =	ssyncset.done $0x0  }
0x7c: {  	[sflag:s12] =	ssyncadd.s32 $0xFFFFD800  }
0x7d: {  	_ =	swait.ge [sflag:s13], $0x50  }
0x7e: {  	[sflag:s13] =	ssyncset.done $0x0  }
0x7f: {  	[sflag:s13] =	ssyncadd.s32 $0xFFFFFFB0  }
0x80: {  	[spmem:s3] =	stream.indirect.scatter.add.f32 [tilespmem:s30], [sflag:$0x3], $0x80, s6, s0, $0xb8;
	[tilespmem:$0x1BB80] =	vst v63  }
0x81: {  	_ = 	snop  }
0x82: {  	[spmem:s4] =	stream.indirect.scatter.add.f32 [tilespmem:s14], [sflag:$0x7], $0x1, s6, s0, $0xb8;
	[tilespmem:$0x1BB80] =	vst v63  }
0x83: {  	_ =	swait.ge [sflag:s31], $0x2800  }
0x84: {  	[sflag:s31] =	ssyncset.done $0x0  }
0x85: {  	[sflag:s31] =	ssyncadd.s32 $0xFFFFD800  }
0x86: {  	_ =	swait.ge [sflag:s15], $0x50  }
0x87: {  	[sflag:s15] =	ssyncset.done $0x0  }
0x88: {  	s20 =	simm.s32 $0xA0;
	[sflag:s15] =	ssyncadd.s32 $0xFFFFFFB0  }
0x89: {  	[tilespmem:s30], [sflag:$0x1] =	stream.indirect.gather [hbm4b:s1+s0], $0x80, s20, s0, $0xb8;
	[tilespmem:$0x1BB80] =	vst v63  }
0x8a: {  	_ = 	snop  }
0x8b: {  	[tilespmem:s6], [sflag:$0x5] =	stream.linear.gather [hbm4b:s28+s21], $0x50, $0x38;
	[tilespmem:$0x1BB80] =	vst v63  }
0x8c: {  	_ =	swait.ge [sflag:s16], $0x2800  }
0x8d: {  	[sflag:s16] =	ssyncset.done $0x0  }
0x8e: {  	[sflag:s16] =	ssyncadd.s32 $0xFFFFD800  }
0x8f: {  	_ =	swait.ge [sflag:s17], $0x50  }
0x90: {  	[sflag:s17] =	ssyncset.done $0x0  }
0x91: {  	[sflag:s17] =	ssyncadd.s32 $0xFFFFFFB0  }
0x92: {  	[spmem:s3] =	stream.indirect.scatter.add.f32 [tilespmem:s9], [sflag:$0x4], $0x80, s11, s0, $0xb8;
	[tilespmem:$0x1BB80] =	vst v63  }
0x93: {  	_ = 	snop  }
0x94: {  	[spmem:s4] =	stream.indirect.scatter.add.f32 [tilespmem:s14], [sflag:$0x8], $0x1, s11, s0, $0xb8;
	[tilespmem:$0x1BB80] =	vst v63  }
0x95: {  	_ =	swait.ge [sflag:s2], $0x2800  }
0x96: {  	[sflag:s2] =	ssyncset.done $0x0  }
0x97: {  	[sflag:s2] =	ssyncadd.s32 $0xFFFFD800  }
0x98: {  	_ =	swait.ge [sflag:s18], $0x50  }
0x99: {  	[sflag:s18] =	ssyncset.done $0x0  }
0x9a: {  	s22 =	simm.s32 $0xF0;
	[sflag:s18] =	ssyncadd.s32 $0xFFFFFFB0  }
0x9b: {  	[tilespmem:s9], [sflag:$0x2] =	stream.indirect.gather [hbm4b:s1+s0], $0x80, s22, s0, $0xb8;
	[tilespmem:$0x1BB80] =	vst v63  }
0x9c: {  	s20 =	sadd.s32 $0x0, s24  }
0x9d: {  	[tilespmem:s11], [sflag:$0x6] =	stream.linear.gather [hbm4b:s20+s5], $0x50, $0x38;
	[tilespmem:$0x1BB80] =	vst v63  }
0x9e: {  	_ =	swait.ge [sflag:s12], $0x2800  }
0x9f: {  	[sflag:s12] =	ssyncset.done $0x0  }
0xa0: {  	[sflag:s12] =	ssyncadd.s32 $0xFFFFD800  }
0xa1: {  	_ =	swait.ge [sflag:s13], $0x50  }
0xa2: {  	[sflag:s13] =	ssyncset.done $0x0  }
0xa3: {  	[sflag:s13] =	ssyncadd.s32 $0xFFFFFFB0  }
0xa4: {  	[spmem:s3] =	stream.indirect.scatter.add.f32 [tilespmem:s30], [sflag:$0x3], $0x80, s6, s0, $0xb8;
	[tilespmem:$0x1BB80] =	vst v63  }
0xa5: {  	_ = 	snop  }
0xa6: {  	[spmem:s4] =	stream.indirect.scatter.add.f32 [tilespmem:s14], [sflag:$0x7], $0x1, s6, s0, $0xb8;
	[tilespmem:$0x1BB80] =	vst v63  }
0xa7: {  	_ =	swait.ge [sflag:s31], $0x2800  }
0xa8: {  	[sflag:s31] =	ssyncset.done $0x0  }
0xa9: {  	[sflag:s31] =	ssyncadd.s32 $0xFFFFD800  }
0xaa: {  	_ =	swait.ge [sflag:s15], $0x50  }
0xab: {  	[sflag:s15] =	ssyncset.done $0x0  }
0xac: {  	s21 =	simm.s32 $0x140;
	[sflag:s15] =	ssyncadd.s32 $0xFFFFFFB0  }
0xad: {  	[tilespmem:s30], [sflag:$0x1] =	stream.indirect.gather [hbm4b:s1+s0], $0x80, s21, s0, $0xb8;
	[tilespmem:$0x1BB80] =	vst v63  }
0xae: {  	s22 =	sadd.s32 $0x0, s23  }
0xaf: {  	[tilespmem:s6], [sflag:$0x5] =	stream.linear.gather [hbm4b:s22+s5], $0x50, $0x38;
	[tilespmem:$0x1BB80] =	vst v63  }
0xb0: {  	_ =	swait.ge [sflag:s16], $0x2800  }
0xb1: {  	[sflag:s16] =	ssyncset.done $0x0  }
0xb2: {  	[sflag:s16] =	ssyncadd.s32 $0xFFFFD800  }
0xb3: {  	_ =	swait.ge [sflag:s17], $0x50  }
0xb4: {  	[sflag:s17] =	ssyncset.done $0x0  }
0xb5: {  	s20 =	simm.s32 $0x14;
	s21 =	simm.s32 $0x1E0;
	[sflag:s17] =	ssyncadd.s32 $0xFFFFFFB0  }
0xb6: {  	[spmem:s3] =	stream.indirect.scatter.add.f32 [tilespmem:s9], [sflag:$0x4], $0x80, s11, s0, $0xb8;
	[tilespmem:$0x1BB80] =	vst v63  }
.LBB2_4:
0xb7: {  	[spmem:s4] =	stream.indirect.scatter.add.f32 [tilespmem:s14], [sflag:$0x8], $0x1, s11, s0, $0xb8;
	[tilespmem:$0x1BB80] =	vst v63  }
0xb8: {  	s8 =	smov.u32 s20  }
0xb9: {  	p0 =	sne.s32 s20, $0x4B0;
	s20 =	sadd.s32 $0x14, s20;
	_ =	swait.ge [sflag:s2], $0x2800  }
0xba: {  	[sflag:s2] =	ssyncset.done $0x0  }
0xbb: {  	[sflag:s2] =	ssyncadd.s32 $0xFFFFD800  }
0xbc: {  	_ =	swait.ge [sflag:s18], $0x50  }
0xbd: {  	[sflag:s18] =	ssyncset.done $0x0  }
0xbe: {  	s22 =	sadd.s32 $0xFFFFFFB0, s21;
	[sflag:s18] =	ssyncadd.s32 $0xFFFFFFB0  }
0xbf: {  	[tilespmem:s9], [sflag:$0x2] =	stream.indirect.gather [hbm4b:s1+s0], $0x80, s22, s0, $0xb8;
	[tilespmem:$0x1BB80] =	vst v63  }
0xc0: {  	s22 =	sadd.s32 s8, s24  }
0xc1: {  	[tilespmem:s11], [sflag:$0x6] =	stream.linear.gather [hbm4b:s22+s5], $0x50, $0x38;
	[tilespmem:$0x1BB80] =	vst v63  }
0xc2: {  	_ =	swait.ge [sflag:s12], $0x2800  }
0xc3: {  	[sflag:s12] =	ssyncset.done $0x0  }
0xc4: {  	[sflag:s12] =	ssyncadd.s32 $0xFFFFD800  }
0xc5: {  	_ =	swait.ge [sflag:s13], $0x50  }
0xc6: {  	[sflag:s13] =	ssyncset.done $0x0  }
0xc7: {  	[sflag:s13] =	ssyncadd.s32 $0xFFFFFFB0  }
0xc8: {  	[spmem:s3] =	stream.indirect.scatter.add.f32 [tilespmem:s30], [sflag:$0x3], $0x80, s6, s0, $0xb8;
	[tilespmem:$0x1BB80] =	vst v63  }
0xc9: {  	_ = 	snop  }
0xca: {  	[spmem:s4] =	stream.indirect.scatter.add.f32 [tilespmem:s14], [sflag:$0x7], $0x1, s6, s0, $0xb8;
	[tilespmem:$0x1BB80] =	vst v63  }
0xcb: {  	_ =	swait.ge [sflag:s31], $0x2800  }
0xcc: {  	[sflag:s31] =	ssyncset.done $0x0  }
0xcd: {  	[sflag:s31] =	ssyncadd.s32 $0xFFFFD800  }
0xce: {  	_ =	swait.ge [sflag:s15], $0x50  }
0xcf: {  	[sflag:s15] =	ssyncset.done $0x0  }
0xd0: {  	[sflag:s15] =	ssyncadd.s32 $0xFFFFFFB0  }
0xd1: {  	[tilespmem:s30], [sflag:$0x1] =	stream.indirect.gather [hbm4b:s1+s0], $0x80, s21, s0, $0xb8;
	[tilespmem:$0x1BB80] =	vst v63  }
0xd2: {  	s8 =	sadd.s32 s8, s23  }
0xd3: {  	[tilespmem:s6], [sflag:$0x5] =	stream.linear.gather [hbm4b:s8+s5], $0x50, $0x38;
	[tilespmem:$0x1BB80] =	vst v63  }
0xd4: {  	_ =	swait.ge [sflag:s16], $0x2800  }
0xd5: {  	[sflag:s16] =	ssyncset.done $0x0  }
0xd6: {  	[sflag:s16] =	ssyncadd.s32 $0xFFFFD800  }
.Ltmp1:
0xd7: {  	_ =	swait.ge [sflag:s17], $0x50;
	(pc) =	sbr.rel @p0 .LBB2_4-.Ltmp1, $4  }
0xd8: {  	[sflag:s17] =	ssyncset.done $0x0  }
0xd9: {  	[sflag:s17] =	ssyncadd.s32 $0xFFFFFFB0  }
0xda: {  	[spmem:s3] =	stream.indirect.scatter.add.f32 [tilespmem:s9], [sflag:$0x4], $0x80, s11, s0, $0xb8;
	[tilespmem:$0x1BB80] =	vst v63  }
0xdb: {  	s21 =	sadd.s32 $0xA0, s21  }
0xdc: {  	[spmem:s4] =	stream.indirect.scatter.add.f32 [tilespmem:s14], [sflag:$0x8], $0x1, s11, s0, $0xb8;
	[tilespmem:$0x1BB80] =	vst v63  }
0xdd: {  	_ =	swait.ge [sflag:s2], $0x2800  }
0xde: {  	[sflag:s2] =	ssyncset.done $0x0  }
0xdf: {  	[sflag:s2] =	ssyncadd.s32 $0xFFFFD800  }
0xe0: {  	_ =	swait.ge [sflag:s18], $0x50  }
0xe1: {  	[sflag:s18] =	ssyncset.done $0x0  }
0xe2: {  	[sflag:s18] =	ssyncadd.s32 $0xFFFFFFB0  }
0xe3: {  	_ =	swait.ge [sflag:s12], $0x2800  }
0xe4: {  	[sflag:s12] =	ssyncset.done $0x0  }
0xe5: {  	[sflag:s12] =	ssyncadd.s32 $0xFFFFD800  }
0xe6: {  	_ =	swait.ge [sflag:s13], $0x50  }
0xe7: {  	[sflag:s13] =	ssyncset.done $0x0  }
0xe8: {  	[sflag:s13] =	ssyncadd.s32 $0xFFFFFFB0  }
0xe9: {  	[spmem:s3] =	stream.indirect.scatter.add.f32 [tilespmem:s30], [sflag:$0x9], $0x80, s6, s0, $0xb8;
	[tilespmem:$0x1BB80] =	vst v63  }
0xea: {  	_ =	swait.ge [sflag:s29], $0x2800  }
0xeb: {  	[sflag:s29] =	ssyncset.done $0x0  }
0xec: {  	[sflag:s29] =	ssyncadd.s32 $0xFFFFD800  }
0xed: {  	[spmem:s4] =	stream.indirect.scatter.add.f32 [tilespmem:s14], [sflag:$0x9], $0x1, s6, s0, $0xb8;
	[tilespmem:$0x1BB80] =	vst v63  }
0xee: {  	_ =	swait.ge [sflag:s29], $0x50  }
0xef: {  	[sflag:s29] =	ssyncset.done $0x0  }
0xf0: {  	s8 =	stileid.u32;
	[sflag:s29] =	ssyncadd.s32 $0xFFFFFFB0  }
0xf1: {  	s8 =	sshll.u32 s8, $0x6;
	[bflag:$0x0] =	sbarrier.arrive $0xFFFF  }
0xf2: {  	s20 =	sshrl.u32 s10, $0x3;
	s8 =	sor.u32 $0x1C09, s8;
	s21 =	rddreg [dreg:$0x6]  }
0xf3: {  	[hbm:s21], [sflag:s8] =	dma.local [spmem:s20], $0x2800  }
0xf4: {  	_ =	swait.ge [sflag:s29], $0x2800  }
0xf5: {  	[sflag:s29] =	ssyncset.done $0x0  }
0xf6: {  	s21 =	sshrl.u32 s7, $0x3;
	s22 =	rddreg [dreg:$0x7];
	[sflag:s29] =	ssyncadd.s32 $0xFFFFD800  }
0xf7: {  	[hbm:s22], [sflag:s8] =	dma.local [spmem:s21], $0x50  }
0xf8: {  	_ =	swait.ge [sflag:s29], $0x50  }
0xf9: {  	s19 =	sadd.s32 $0x1, s19;
	s22 =	rddreg [dreg:$0x8]  }
0xfa: {  	p0 =	sne.s32 s19, s22  }
.Ltmp2:
0xfb: {  	_ = 	snop;
	(pc) =	sbr.rel @p0 .LBB2_1-.Ltmp2, $3  }
0xfc: {  	_ =	sdelay $0x1  }
0xfd: {  	[sflag:s29] =	ssyncset.done $0x0  }
0xfe: {  	[sflag:s29] =	ssyncadd.s32 $0xFFFFFFB0  }
0xff: {  	_ =	sfence.sel $0x180000  }
0x100: {  	[bflag:$0x0] =	sbarrier.arrive $0xFFFF  }
0x101: {  	_ =	strace $0x90000047  }
0x102: {  	s0 =	stileid.u32;
	[bflag:$0x2] =	sbarrier.arrive $0xFFFF  }
0x103: {  	p0 =	sne.s32 s0, $0x0;
	s0 =	rddreg [dreg:$0x4]  }
0x104: {  	s0 =	sadd.s32 @!p0 $0x100000, s0  }
0x105: {  	[sflag:s0] =	ssyncadd.tile.s32 @!p0 $0x1;
	_ =	shalt  }
.Lfunc_end2:
_tile_overlayer_lowered:
.L_overlay_start_2:
0x106: {  	(tag) =	ssettag $0x2  }
0x107: {  	s0 =	rddreg [dreg:$0x0];
	s2 =	stileid.u32  }
0x108: {  	s1 =	rddreg [dreg:$0x1];
	p0 =	sne.s32 s2, $0x0  }
0x109: {  	s3 =	rddreg [dreg:$0x2];
	[bflag:$0x3] =	sbarrier.arrive $0xFFFF;
	s2 =	simm.s32 @!p0 $0x1C09  }
0x10a: {  	[timem:s3], [sflag:s2] =	dma.local @!p0 [hbm:s0], s1  }
0x10b: {  	s0 =	simm.s32 @!p0 $0x9  }
0x10c: {  	_ =	swait.ge @!p0 [sflag:s0], s1  }
0x10d: {  	s1 =	ssub.s32 @!p0 $0x0, s1;
	[sflag:s0] =	ssyncset.done @!p0 $0x0  }
0x10e: {  	[sflag:s0] =	ssyncadd.s32 @!p0 s1  }
0x10f: {  	[bflag:$0x3] =	sbarrier.arrive $0xFFFF  }
0x110: {  	_ =	shalt  }

</sc_bundles>
